<compile_context>
chip_gen: v7x
topology: tpu7x:2x2x1
jax: 0.10.2.dev20260603
libtpu: 0.0.44.dev20260713+nightly
codegen_flags: <defaults>
</compile_context>

<pallas_src>
import dataclasses
import functools

import jax
import jax.numpy as jnp
from jax import lax
from jax.experimental import pallas as pl
from jax.experimental.pallas import tpu as pltpu
from jax.experimental.pallas import tpu_sc as plsc

CHUNK = 128
NC = 2
NS = 16


def _cdiv(a, b):
    return (a + b - 1) // b


def _rows_per_tile(n):
    rt = _cdiv(_cdiv(n, NS), 8) * 8
    return rt, n - rt * (NS - 1)


def _copy_out_rows(sid, src_sh, dst_hbm_core, n):
    rt, last = _rows_per_tile(n)
    r0 = sid * rt

    @pl.when(sid < NS - 1)
    def _():
        pltpu.sync_copy(src_sh.at[pl.ds(r0, rt)],
                        dst_hbm_core.at[pl.ds(r0, rt)])

    @pl.when(sid == NS - 1)
    def _():
        pltpu.sync_copy(src_sh.at[pl.ds((NS - 1) * rt, last)],
                        dst_hbm_core.at[pl.ds((NS - 1) * rt, last)])



HR = 80


def _make_degrees():
    ept = CPT * CHUNK
    mesh = plsc.VectorSubcoreMesh(core_axis_name="c", subcore_axis_name="s")
    cp = pltpu.CompilerParams()
    if "needs_layout_passes" in pltpu.CompilerParams.__dataclass_fields__:
        cp = dataclasses.replace(cp, needs_layout_passes=False)

    @functools.partial(
        pl.kernel,
        out_type=(jax.ShapeDtypeStruct((NC, NS, HR, CHUNK), jnp.float32),
                  jax.ShapeDtypeStruct((NC, NS, HR, CHUNK), jnp.float32)),
        mesh=mesh,
        compiler_params=cp,
        scratch_types=[pltpu.VMEM((ept,), jnp.int32),
                       pltpu.VMEM((ept,), jnp.int32),
                       pltpu.VMEM((HR, CHUNK), jnp.float32),
                       pltpu.VMEM((HR, CHUNK), jnp.float32),
                       pltpu.SemaphoreType.DMA],
    )
    def deg_kernel(src_hbm, dst_hbm, zeros_hbm, dout_hbm, din_hbm,
                   sidx, didx, h_out, h_in, isem):
        cid = lax.axis_index("c")
        sid = lax.axis_index("s")
        base = (cid * NS + sid) * ept

        pltpu.async_copy(src_hbm.at[pl.ds(base, ept)], sidx, isem).wait()
        pltpu.async_copy(dst_hbm.at[pl.ds(base, ept)], didx, isem).wait()
        pltpu.sync_copy(zeros_hbm.at[pl.ds(0, HR)], h_out)
        pltpu.sync_copy(zeros_hbm.at[pl.ds(0, HR)], h_in)

        ones_v = jnp.ones((16,), jnp.float32)

        @pl.loop(0, ept // 16)
        def _(g):
            sv = sidx[pl.ds(g * 16, 16)]
            plsc.addupdate_scatter(
                h_out, [lax.shift_right_logical(sv, 7), lax.bitwise_and(sv, 127)],
                ones_v)
            dv = didx[pl.ds(g * 16, 16)]
            plsc.addupdate_scatter(
                h_in, [lax.shift_right_logical(dv, 7), lax.bitwise_and(dv, 127)],
                ones_v)

        pltpu.sync_copy(h_out, dout_hbm.at[cid, sid])
        pltpu.sync_copy(h_in, din_hbm.at[cid, sid])

    return deg_kernel


CPT = 80
NRING = 2
BLK = 16
PAD_ROWS = 8


def _make_edge_pass(n, d):
    n_acc = n + PAD_ROWS
    mesh = plsc.VectorSubcoreMesh(core_axis_name="c", subcore_axis_name="s")

    @functools.partial(
        pl.kernel,
        out_type=jax.ShapeDtypeStruct((NC, n, d), jnp.float32),
        mesh=mesh,
        scratch_types=[pltpu.VMEM((2, 1, BLK * CHUNK), jnp.int32),
                       pltpu.VMEM((2, BLK, 1, CHUNK), jnp.int32),
                       pltpu.VMEM((NRING, CHUNK, d), jnp.float32),
                       pltpu.VMEM_SHARED((n_acc, d), jnp.float32),
                       pltpu.SemaphoreType.DMA,
                       pltpu.SemaphoreType.DMA((NRING,)),
                       pltpu.SemaphoreType.DMA((NRING,))],
    )
    def edge_kernel(y_hbm, src3d_hbm, dst3d_hbm, zeros_hbm, out_hbm,
                    sidx, didx, rows, acc, isem, gsem, ssem):
        cid = lax.axis_index("c")
        sid = lax.axis_index("s")
        tile_c0 = (cid * NS + sid) * CPT

        rt, last = _rows_per_tile(n)

        @pl.when(sid < NS - 1)
        def _():
            pltpu.sync_copy(zeros_hbm.at[pl.ds(sid * rt, rt)],
                            acc.at[pl.ds(sid * rt, rt)])

        @pl.when(sid == NS - 1)
        def _():
            pltpu.sync_copy(zeros_hbm.at[pl.ds((NS - 1) * rt, last + PAD_ROWS)],
                            acc.at[pl.ds((NS - 1) * rt, last + PAD_ROWS)])

        plsc.subcore_barrier()

        def gather_desc(k):
            slot = lax.rem(k, NRING)
            buf = lax.rem(lax.div(k, BLK), 2)
            idx_view = sidx.at[buf, 0, pl.ds(lax.rem(k, BLK) * CHUNK, CHUNK)]
            return pltpu.make_async_copy(y_hbm.at[idx_view], rows.at[slot],
                                         gsem.at[slot])

        def scatter_desc(k):
            slot = lax.rem(k, NRING)
            buf = lax.rem(lax.div(k, BLK), 2)
            idx_view = didx.at[buf, lax.rem(k, BLK), 0]
            return pltpu.make_async_copy(rows.at[slot], acc.at[idx_view],
                                         ssem.at[slot])

        @pl.loop(0, CPT + 1)
        def _(i):
            @pl.when((lax.rem(i, BLK) == 0) & (i < CPT))
            def _():
                buf = lax.rem(lax.div(i, BLK), 2)
                c0 = tile_c0 + i
                pltpu.async_copy(src3d_hbm.at[lax.div(c0, BLK)],
                                 sidx.at[buf], isem).wait()
                pltpu.async_copy(dst3d_hbm.at[pl.ds(c0, BLK)],
                                 didx.at[buf], isem).wait()

            @pl.when(i < CPT)
            def _():
                @pl.when(i >= NRING)
                def _():
                    scatter_desc(i - NRING).wait()
                gather_desc(i).start()

            @pl.when(i >= 1)
            def _():
                k = i - 1
                gather_desc(k).wait()
                scatter_desc(k).start(add=True)

        for k in range(CPT - NRING, CPT):
            scatter_desc(k).wait()

        plsc.subcore_barrier()
        _copy_out_rows(sid, acc, out_hbm.at[cid], n)

    return edge_kernel



_BLK = 1000


def _matmul(x, w):
    n, din = x.shape
    dout = w.shape[1]

    def body(x_ref, w_ref, o_ref):
        o_ref[...] = jnp.dot(x_ref[...], w_ref[...],
                             preferred_element_type=jnp.float32)

    return pl.pallas_call(
        body,
        grid=(n // _BLK,),
        in_specs=[pl.BlockSpec((_BLK, din), lambda i: (i, 0)),
                  pl.BlockSpec((din, dout), lambda i: (0, 0))],
        out_specs=pl.BlockSpec((_BLK, dout), lambda i: (i, 0)),
        out_shape=jax.ShapeDtypeStruct((n, dout), jnp.float32),
    )(x, w)


def _deg_view(p, n):
    flat = p.reshape(NC * NS, HR * CHUNK)[:, :n]
    return flat.reshape(NC * NS, n // _BLK, 1, _BLK)


def _deg_spec():
    return pl.BlockSpec((NC * NS, 1, 1, _BLK), lambda i: (0, i, 0, 0))


def _norm_from_partials(p_ref):
    deg = jnp.sum(p_ref[...], axis=(0, 1, 2))
    return lax.rsqrt(jnp.maximum(deg, 1.0))


def _scale_rows(z, dout_p):
    n, d = z.shape

    def body(z_ref, p_ref, o_ref):
        ns = _norm_from_partials(p_ref)
        o_ref[...] = z_ref[...] * ns[:, None]

    return pl.pallas_call(
        body,
        grid=(n // _BLK,),
        in_specs=[pl.BlockSpec((_BLK, d), lambda i: (i, 0)),
                  _deg_spec()],
        out_specs=pl.BlockSpec((_BLK, d), lambda i: (i, 0)),
        out_shape=jax.ShapeDtypeStruct((n, d), jnp.float32),
    )(z, dout_p)


def _mid_layer(agg_p, din_p, dout_p, b1):
    n, d = agg_p.shape[1], agg_p.shape[2]

    def body(a_ref, di_ref, do_ref, b_ref, o_ref):
        agg = a_ref[0] + a_ref[1]
        nd = _norm_from_partials(di_ref)
        ns = _norm_from_partials(do_ref)
        h = jnp.maximum(agg * nd[:, None] + b_ref[...], 0.0)
        o_ref[...] = h * ns[:, None]

    return pl.pallas_call(
        body,
        grid=(n // _BLK,),
        in_specs=[pl.BlockSpec((NC, _BLK, d), lambda i: (0, i, 0)),
                  _deg_spec(),
                  _deg_spec(),
                  pl.BlockSpec((1, d), lambda i: (0, 0))],
        out_specs=pl.BlockSpec((_BLK, d), lambda i: (i, 0)),
        out_shape=jax.ShapeDtypeStruct((n, d), jnp.float32),
    )(agg_p, din_p, dout_p, b1)


def _final_layer(agg_p, din_p, w2, b2):
    n, d = agg_p.shape[1], agg_p.shape[2]
    d2 = w2.shape[1]

    def body(a_ref, di_ref, w_ref, b_ref, o_ref):
        agg = a_ref[0] + a_ref[1]
        nd = _norm_from_partials(di_ref)
        y = jnp.dot(agg, w_ref[...], preferred_element_type=jnp.float32)
        o_ref[...] = y * nd[:, None] + b_ref[...]

    return pl.pallas_call(
        body,
        grid=(n // _BLK,),
        in_specs=[pl.BlockSpec((NC, _BLK, d), lambda i: (0, i, 0)),
                  _deg_spec(),
                  pl.BlockSpec((d, d2), lambda i: (0, 0)),
                  pl.BlockSpec((1, d2), lambda i: (0, 0))],
        out_specs=pl.BlockSpec((_BLK, d2), lambda i: (i, 0)),
        out_shape=jax.ShapeDtypeStruct((n, d2), jnp.float32),
    )(agg_p, din_p, w2, b2)



def kernel(x, edge_index, W1, b1, W2, b2):
    n, _ = x.shape
    e = edge_index.shape[1]
    d_hid = W1.shape[1]
    d_out = W2.shape[1]
    nch = e // CHUNK

    src1d = edge_index[0]
    dst1d = edge_index[1]
    z_hid = jnp.zeros((n + PAD_ROWS, d_hid), jnp.float32)

    nch_pad = NC * NS * CPT
    pad = nch_pad * CHUNK - e
    spread = jnp.arange(pad, dtype=jnp.int32) % PAD_ROWS
    src_edge_pad = jnp.concatenate([src1d, spread])
    src3d_pad = src_edge_pad.reshape(nch_pad // BLK, 1, BLK * CHUNK)
    src_deg_pad = jnp.concatenate([src1d, n + spread])
    dst_pad = jnp.concatenate([dst1d, n + spread])
    dst3d_pad = dst_pad.reshape(nch_pad, 1, CHUNK)

    dout_p, din_p = _make_degrees()(src_deg_pad, dst_pad, z_hid)
    dout_p = _deg_view(dout_p, n)
    din_p = _deg_view(din_p, n)
    z1 = _matmul(x, W1)
    y1 = _scale_rows(z1, dout_p)
    edge_pass = _make_edge_pass(n, d_hid)
    agg1 = edge_pass(y1, src3d_pad, dst3d_pad, z_hid)
    y2 = _mid_layer(agg1, din_p, dout_p, b1.reshape(1, -1))
    agg2 = edge_pass(y2, src3d_pad, dst3d_pad, z_hid)
    del d_out, nch
    return _final_layer(agg2, din_p, W2, b2.reshape(1, -1))

# --- scband reference (transcript-rebuilt; emitter-appended) ---
"""Pipeline reference for scband-gnnmodel-21595095564867 (READ-ONLY COPY).

The authoritative reference and input builder live on the scoring server;
editing this copy changes nothing except your own understanding.
"""

import jax, jax.numpy as jnp
import numpy as np

N = 10000
E = 320000
D_IN = 128
D_HID = 128
D_OUT = 64


def setup_inputs(seed: int = 0) -> dict:
    key = jax.random.key(seed)
    k1, k2, k3, k4, k5, k6 = jax.random.split(key, 6)
    x = jax.random.normal(k1, (N, D_IN), dtype=jnp.float32)
    edge_index = jax.random.randint(k2, (2, E), 0, N, dtype=jnp.int32)
    # GraphConv weights (glorot-ish init) and biases
    W1 = jax.random.normal(k3, (D_IN, D_HID), dtype=jnp.float32) * (1.0 / np.sqrt(D_IN))
    b1 = jnp.zeros((D_HID,), dtype=jnp.float32)
    W2 = jax.random.normal(k4, (D_HID, D_OUT), dtype=jnp.float32) * (1.0 / np.sqrt(D_HID))
    b2 = jnp.zeros((D_OUT,), dtype=jnp.float32)
    return {"x": x, "edge_index": edge_index, "W1": W1, "b1": b1, "W2": W2, "b2": b2}


def _graph_conv(x, src, dst, W, b):
    # DGL GraphConv with norm='both', allow_zero_in_degree=True:
    # out = D_in^{-1/2} A D_out^{-1/2} X W + b  (degrees clamped to min 1)
    ones = jnp.ones((src.shape[0],), dtype=x.dtype)
    deg_out = jax.ops.segment_sum(ones, src, num_segments=N)
    deg_in = jax.ops.segment_sum(ones, dst, num_segments=N)
    norm_src = jnp.power(jnp.clip(deg_out, 1.0, None), -0.5)
    norm_dst = jnp.power(jnp.clip(deg_in, 1.0, None), -0.5)
    h = x * norm_src[:, None]
    msg = jnp.take(h, src, axis=0)
    agg = jax.ops.segment_sum(msg, dst, num_segments=N)
    agg = agg * norm_dst[:, None]
    return agg @ W + b


def reference(x, edge_index, W1, b1, W2, b2):
    # Single canonical etype ('node','edge','node'); the edge_type_subgraph is
    # the whole graph. conv1 -> relu -> conv2 (padding branch is dead code since
    # GraphConv returns features for all nodes).
    src = edge_index[0]
    dst = edge_index[1]
    h = jax.nn.relu(_graph_conv(x, src, dst, W1, b1))
    out = _graph_conv(h, src, dst, W2, b2)
    return out

if __name__ == "__main__":
    import jax
    _d = setup_inputs()
    print(jax.jit(kernel)(*tuple(_d.values())))

</pallas_src>

<mosaic_0001>
#map = affine_map<(d0, d1) -> (0, 0)>
#map1 = affine_map<(d0, d1) -> (0, 0, 0)>
module attributes {stable_mosaic.version = 14 : i64} {
  func.func @edge_kernel(%arg0: i32, %arg1: i32, %arg2: memref<10000x128xf32, #tpu.memory_space<hbm>>, %arg3: memref<160x1x2048xi32, #tpu.memory_space<hbm>>, %arg4: memref<2560x1x128xi32, #tpu.memory_space<hbm>>, %arg5: memref<10008x128xf32, #tpu.memory_space<hbm>>, %arg6: memref<2x10000x128xf32, #tpu.memory_space<hbm>>, %arg7: memref<2x1x2048xi32, #tpu.memory_space<vmem>>, %arg8: memref<2x16x1x128xi32, #tpu.memory_space<vmem>>, %arg9: memref<2x128x128xf32, #tpu.memory_space<vmem>>, %arg10: memref<10008x128xf32, #tpu.memory_space<vmem_shared>>, %arg11: memref<!tpu.dma_semaphore, #tpu.memory_space<semaphore_mem>>, %arg12: memref<2x!tpu.dma_semaphore, #tpu.memory_space<semaphore_mem>>, %arg13: memref<2x!tpu.dma_semaphore, #tpu.memory_space<semaphore_mem>>) attributes {dimension_semantics = [#tpu.dimension_semantics<core_parallel>, #tpu.dimension_semantics<subcore_parallel>], iteration_bounds = array<i64: 2, 16>, scalar_prefetch = 0 : i64, scratch_operands = 7 : i64, tpu.core_type = #tpu.core_type<sc_vector_subcore>, window_params = [{transform_indices = #map}, {transform_indices = #map1}, {transform_indices = #map1}, {transform_indices = #map}, {transform_indices = #map1}]} {
    %mul3A = arith.constant 16 : i32
    %mul3A_0 = arith.muli %arg0, %mul3A : i32
    %add3A = arith.addi %mul3A_0, %arg1 : i32
    %mul3A_1 = arith.constant 80 : i32
    %mul3A_2 = arith.muli %add3A, %mul3A_1 : i32
    %lt3A = arith.constant 15 : i32
    %lt3A_3 = arith.cmpi slt, %arg1, %lt3A : i32
    %convert_element_type3A = arith.extui %lt3A_3 : i1 to i32
    %cond3A = arith.constant 0 : i32
    %cond3A_4 = arith.cmpi ne, %convert_element_type3A, %cond3A : i32
    scf.if %cond3A_4 {
      %mul3A_71 = arith.constant 632 : i32
      %mul3A_72 = arith.muli %arg1, %mul3A_71 : i32
      %mul3A_73 = arith.constant 632 : i32
      %mul3A_74 = arith.muli %arg1, %mul3A_73 : i32
      "tpu.region"() ({
        %run_scoped3A = tpu.sem_alloc : memref<!tpu.dma_semaphore, #tpu.memory_space<semaphore_mem>>
        %dma_start3A = arith.constant 0 : i32
        %dma_start3A_75 = tpu.memref_slice %arg10[%mul3A_74, %dma_start3A] : memref<10008x128xf32, #tpu.memory_space<vmem_shared>> -> memref<632x128xf32, #tpu.memory_space<vmem_shared>>
        %dma_start3A_76 = arith.constant 0 : i32
        %dma_start3A_77 = tpu.memref_slice %arg5[%mul3A_72, %dma_start3A_76] : memref<10008x128xf32, #tpu.memory_space<hbm>> -> memref<632x128xf32, #tpu.memory_space<hbm>>
        tpu.enqueue_dma source(%dma_start3A_77 : memref<632x128xf32, #tpu.memory_space<hbm>>) target(%dma_start3A_75 : memref<632x128xf32, #tpu.memory_space<vmem_shared>>) target_semaphore(%run_scoped3A : memref<!tpu.dma_semaphore, #tpu.memory_space<semaphore_mem>>)
        %dma_wait3A_78 = arith.constant 0 : i32
        %dma_wait3A_79 = tpu.memref_slice %arg10[%mul3A_74, %dma_wait3A_78] : memref<10008x128xf32, #tpu.memory_space<vmem_shared>> -> memref<632x128xf32, #tpu.memory_space<vmem_shared>>
        %dma_wait3A_80 = arith.constant 0 : i32
        %dma_wait3A_81 = tpu.memref_slice %arg5[%mul3A_72, %dma_wait3A_80] : memref<10008x128xf32, #tpu.memory_space<hbm>> -> memref<632x128xf32, #tpu.memory_space<hbm>>
        tpu.wait_dma2 semaphore(%run_scoped3A : memref<!tpu.dma_semaphore, #tpu.memory_space<semaphore_mem>>) src(%dma_wait3A_81 : memref<632x128xf32, #tpu.memory_space<hbm>>) dst(%dma_wait3A_79 : memref<632x128xf32, #tpu.memory_space<vmem_shared>>)
        tpu.yield
      }) : () -> ()
    } else {
    }
    %eq3A = arith.constant 15 : i32
    %eq3A_5 = arith.cmpi eq, %arg1, %eq3A : i32
    %convert_element_type3A_6 = arith.extui %eq3A_5 : i1 to i32
    %cond3A_7 = arith.constant 0 : i32
    %cond3A_8 = arith.cmpi ne, %convert_element_type3A_6, %cond3A_7 : i32
    scf.if %cond3A_8 {
      "tpu.region"() ({
        %run_scoped3A = tpu.sem_alloc : memref<!tpu.dma_semaphore, #tpu.memory_space<semaphore_mem>>
        %dma_start3A = arith.constant 9480 : i32
        %dma_start3A_71 = arith.constant 0 : i32
        %dma_start3A_72 = tpu.memref_slice %arg10[%dma_start3A, %dma_start3A_71] : memref<10008x128xf32, #tpu.memory_space<vmem_shared>> -> memref<528x128xf32, #tpu.memory_space<vmem_shared>>
        %dma_start3A_73 = arith.constant 9480 : i32
        %dma_start3A_74 = arith.constant 0 : i32
        %dma_start3A_75 = tpu.memref_slice %arg5[%dma_start3A_73, %dma_start3A_74] : memref<10008x128xf32, #tpu.memory_space<hbm>> -> memref<528x128xf32, #tpu.memory_space<hbm>>
        tpu.enqueue_dma source(%dma_start3A_75 : memref<528x128xf32, #tpu.memory_space<hbm>>) target(%dma_start3A_72 : memref<528x128xf32, #tpu.memory_space<vmem_shared>>) target_semaphore(%run_scoped3A : memref<!tpu.dma_semaphore, #tpu.memory_space<semaphore_mem>>)
        %dma_wait3A_76 = arith.constant 9480 : i32
        %dma_wait3A_77 = arith.constant 0 : i32
        %dma_wait3A_78 = tpu.memref_slice %arg10[%dma_wait3A_76, %dma_wait3A_77] : memref<10008x128xf32, #tpu.memory_space<vmem_shared>> -> memref<528x128xf32, #tpu.memory_space<vmem_shared>>
        %dma_wait3A_79 = arith.constant 9480 : i32
        %dma_wait3A_80 = arith.constant 0 : i32
        %dma_wait3A_81 = tpu.memref_slice %arg5[%dma_wait3A_79, %dma_wait3A_80] : memref<10008x128xf32, #tpu.memory_space<hbm>> -> memref<528x128xf32, #tpu.memory_space<hbm>>
        tpu.wait_dma2 semaphore(%run_scoped3A : memref<!tpu.dma_semaphore, #tpu.memory_space<semaphore_mem>>) src(%dma_wait3A_81 : memref<528x128xf32, #tpu.memory_space<hbm>>) dst(%dma_wait3A_78 : memref<528x128xf32, #tpu.memory_space<vmem_shared>>)
        tpu.yield
      }) : () -> ()
    } else {
    }
    %barrier3A = arith.constant 0 : index
    tpu.barrier barrier_id(%barrier3A)
    %scan3A = arith.constant 0 : i32
    %scan3A_9 = arith.constant 81 : i32
    %scan3A_10 = arith.addi %scan3A, %scan3A_9 : i32
    %scan3A_11 = arith.constant 1 : i32
    scf.for %scan3A_71 = %scan3A to %scan3A_10 step %scan3A_11  : i32 {
      %mul3A_72 = arith.constant 1 : i32
      %mul3A_73 = arith.muli %scan3A_71, %mul3A_72 : i32
      %add3A_74 = arith.constant 0 : i32
      %add3A_75 = arith.addi %add3A_74, %mul3A_73 : i32
      %rem3A_76 = arith.constant 16 : i32
      %rem3A_77 = arith.remsi %add3A_75, %rem3A_76 : i32
      %eq3A_78 = arith.constant 0 : i32
      %eq3A_79 = arith.cmpi eq, %rem3A_77, %eq3A_78 : i32
      %lt3A_80 = arith.constant 80 : i32
      %lt3A_81 = arith.cmpi slt, %add3A_75, %lt3A_80 : i32
      %and3A = arith.andi %eq3A_79, %lt3A_81 : i1
      %convert_element_type3A_82 = arith.extui %and3A : i1 to i32
      %cond3A_83 = arith.constant 0 : i32
      %cond3A_84 = arith.cmpi ne, %convert_element_type3A_82, %cond3A_83 : i32
      scf.if %cond3A_84 {
        %div3A_94 = arith.constant 16 : i32
        %div3A_95 = arith.divsi %add3A_75, %div3A_94 : i32
        %rem3A_96 = arith.constant 2 : i32
        %rem3A_97 = arith.remsi %div3A_95, %rem3A_96 : i32
        %add3A_98 = arith.addi %mul3A_2, %add3A_75 : i32
        %div3A_99 = arith.constant 16 : i32
        %div3A_100 = arith.divsi %add3A_98, %div3A_99 : i32
        %dma_start3A = arith.constant 0 : i32
        %dma_start3A_101 = arith.constant 0 : i32
        %dma_start3A_102 = tpu.memref_slice %arg7[%rem3A_97, %dma_start3A, %dma_start3A_101] : memref<2x1x2048xi32, #tpu.memory_space<vmem>> -> memref<1x1x2048xi32, #tpu.memory_space<vmem>>
        %dma_start3A_103 = tpu.memref_squeeze %dma_start3A_102 : memref<1x1x2048xi32, #tpu.memory_space<vmem>> -> memref<1x2048xi32, #tpu.memory_space<vmem>>
        %dma_start3A_104 = arith.constant 0 : i32
        %dma_start3A_105 = arith.constant 0 : i32
        %dma_start3A_106 = tpu.memref_slice %arg3[%div3A_100, %dma_start3A_104, %dma_start3A_105] : memref<160x1x2048xi32, #tpu.memory_space<hbm>> -> memref<1x1x2048xi32, #tpu.memory_space<hbm>>
        %dma_start3A_107 = tpu.memref_squeeze %dma_start3A_106 : memref<1x1x2048xi32, #tpu.memory_space<hbm>> -> memref<1x2048xi32, #tpu.memory_space<hbm>>
        %dma_start3A_108 = arith.constant 0 : i32
        %dma_start3A_109 = arith.constant 0 : i32
        %dma_start3A_110 = tpu.memref_slice %arg7[%rem3A_97, %dma_start3A_108, %dma_start3A_109] : memref<2x1x2048xi32, #tpu.memory_space<vmem>> -> memref<1x1x2048xi32, #tpu.memory_space<vmem>>
        %dma_start3A_111 = tpu.memref_squeeze %dma_start3A_110 : memref<1x1x2048xi32, #tpu.memory_space<vmem>> -> memref<1x2048xi32, #tpu.memory_space<vmem>>
        %dma_start3A_112 = arith.constant 0 : i32
        %dma_start3A_113 = arith.constant 0 : i32
        %dma_start3A_114 = tpu.memref_slice %arg3[%div3A_100, %dma_start3A_112, %dma_start3A_113] : memref<160x1x2048xi32, #tpu.memory_space<hbm>> -> memref<1x1x2048xi32, #tpu.memory_space<hbm>>
        %dma_start3A_115 = tpu.memref_squeeze %dma_start3A_114 : memref<1x1x2048xi32, #tpu.memory_space<hbm>> -> memref<1x2048xi32, #tpu.memory_space<hbm>>
        tpu.enqueue_dma source(%dma_start3A_115 : memref<1x2048xi32, #tpu.memory_space<hbm>>) target(%dma_start3A_111 : memref<1x2048xi32, #tpu.memory_space<vmem>>) target_semaphore(%arg11 : memref<!tpu.dma_semaphore, #tpu.memory_space<semaphore_mem>>)
        %dma_wait3A_116 = arith.constant 0 : i32
        %dma_wait3A_117 = arith.constant 0 : i32
        %dma_wait3A_118 = tpu.memref_slice %arg7[%rem3A_97, %dma_wait3A_116, %dma_wait3A_117] : memref<2x1x2048xi32, #tpu.memory_space<vmem>> -> memref<1x1x2048xi32, #tpu.memory_space<vmem>>
        %dma_wait3A_119 = tpu.memref_squeeze %dma_wait3A_118 : memref<1x1x2048xi32, #tpu.memory_space<vmem>> -> memref<1x2048xi32, #tpu.memory_space<vmem>>
        %dma_wait3A_120 = arith.constant 0 : i32
        %dma_wait3A_121 = arith.constant 0 : i32
        %dma_wait3A_122 = tpu.memref_slice %arg3[%div3A_100, %dma_wait3A_120, %dma_wait3A_121] : memref<160x1x2048xi32, #tpu.memory_space<hbm>> -> memref<1x1x2048xi32, #tpu.memory_space<hbm>>
        %dma_wait3A_123 = tpu.memref_squeeze %dma_wait3A_122 : memref<1x1x2048xi32, #tpu.memory_space<hbm>> -> memref<1x2048xi32, #tpu.memory_space<hbm>>
        %dma_wait3A_124 = arith.constant 0 : i32
        %dma_wait3A_125 = arith.constant 0 : i32
        %dma_wait3A_126 = tpu.memref_slice %arg7[%rem3A_97, %dma_wait3A_124, %dma_wait3A_125] : memref<2x1x2048xi32, #tpu.memory_space<vmem>> -> memref<1x1x2048xi32, #tpu.memory_space<vmem>>
        %dma_wait3A_127 = tpu.memref_squeeze %dma_wait3A_126 : memref<1x1x2048xi32, #tpu.memory_space<vmem>> -> memref<1x2048xi32, #tpu.memory_space<vmem>>
        %dma_wait3A_128 = arith.constant 0 : i32
        %dma_wait3A_129 = arith.constant 0 : i32
        %dma_wait3A_130 = tpu.memref_slice %arg3[%div3A_100, %dma_wait3A_128, %dma_wait3A_129] : memref<160x1x2048xi32, #tpu.memory_space<hbm>> -> memref<1x1x2048xi32, #tpu.memory_space<hbm>>
        %dma_wait3A_131 = tpu.memref_squeeze %dma_wait3A_130 : memref<1x1x2048xi32, #tpu.memory_space<hbm>> -> memref<1x2048xi32, #tpu.memory_space<hbm>>
        tpu.wait_dma2 semaphore(%arg11 : memref<!tpu.dma_semaphore, #tpu.memory_space<semaphore_mem>>) src(%dma_wait3A_131 : memref<1x2048xi32, #tpu.memory_space<hbm>>) dst(%dma_wait3A_127 : memref<1x2048xi32, #tpu.memory_space<vmem>>)
        %dma_start3A_132 = arith.constant 0 : i32
        %dma_start3A_133 = arith.constant 0 : i32
        %dma_start3A_134 = arith.constant 0 : i32
        %dma_start3A_135 = tpu.memref_slice %arg8[%rem3A_97, %dma_start3A_132, %dma_start3A_133, %dma_start3A_134] : memref<2x16x1x128xi32, #tpu.memory_space<vmem>> -> memref<1x16x1x128xi32, #tpu.memory_space<vmem>>
        %dma_start3A_136 = tpu.memref_squeeze %dma_start3A_135 : memref<1x16x1x128xi32, #tpu.memory_space<vmem>> -> memref<16x1x128xi32, #tpu.memory_space<vmem>>
        %dma_start3A_137 = arith.constant 0 : i32
        %dma_start3A_138 = arith.constant 0 : i32
        %dma_start3A_139 = tpu.memref_slice %arg4[%add3A_98, %dma_start3A_137, %dma_start3A_138] : memref<2560x1x128xi32, #tpu.memory_space<hbm>> -> memref<16x1x128xi32, #tpu.memory_space<hbm>>
        %dma_start3A_140 = arith.constant 0 : i32
        %dma_start3A_141 = arith.constant 0 : i32
        %dma_start3A_142 = arith.constant 0 : i32
        %dma_start3A_143 = tpu.memref_slice %arg8[%rem3A_97, %dma_start3A_140, %dma_start3A_141, %dma_start3A_142] : memref<2x16x1x128xi32, #tpu.memory_space<vmem>> -> memref<1x16x1x128xi32, #tpu.memory_space<vmem>>
        %dma_start3A_144 = tpu.memref_squeeze %dma_start3A_143 : memref<1x16x1x128xi32, #tpu.memory_space<vmem>> -> memref<16x1x128xi32, #tpu.memory_space<vmem>>
        %dma_start3A_145 = arith.constant 0 : i32
        %dma_start3A_146 = arith.constant 0 : i32
        %dma_start3A_147 = tpu.memref_slice %arg4[%add3A_98, %dma_start3A_145, %dma_start3A_146] : memref<2560x1x128xi32, #tpu.memory_space<hbm>> -> memref<16x1x128xi32, #tpu.memory_space<hbm>>
        tpu.enqueue_dma source(%dma_start3A_147 : memref<16x1x128xi32, #tpu.memory_space<hbm>>) target(%dma_start3A_144 : memref<16x1x128xi32, #tpu.memory_space<vmem>>) target_semaphore(%arg11 : memref<!tpu.dma_semaphore, #tpu.memory_space<semaphore_mem>>)
        %dma_wait3A_148 = arith.constant 0 : i32
        %dma_wait3A_149 = arith.constant 0 : i32
        %dma_wait3A_150 = arith.constant 0 : i32
        %dma_wait3A_151 = tpu.memref_slice %arg8[%rem3A_97, %dma_wait3A_148, %dma_wait3A_149, %dma_wait3A_150] : memref<2x16x1x128xi32, #tpu.memory_space<vmem>> -> memref<1x16x1x128xi32, #tpu.memory_space<vmem>>
        %dma_wait3A_152 = tpu.memref_squeeze %dma_wait3A_151 : memref<1x16x1x128xi32, #tpu.memory_space<vmem>> -> memref<16x1x128xi32, #tpu.memory_space<vmem>>
        %dma_wait3A_153 = arith.constant 0 : i32
        %dma_wait3A_154 = arith.constant 0 : i32
        %dma_wait3A_155 = tpu.memref_slice %arg4[%add3A_98, %dma_wait3A_153, %dma_wait3A_154] : memref<2560x1x128xi32, #tpu.memory_space<hbm>> -> memref<16x1x128xi32, #tpu.memory_space<hbm>>
        %dma_wait3A_156 = arith.constant 0 : i32
        %dma_wait3A_157 = arith.constant 0 : i32
        %dma_wait3A_158 = arith.constant 0 : i32
        %dma_wait3A_159 = tpu.memref_slice %arg8[%rem3A_97, %dma_wait3A_156, %dma_wait3A_157, %dma_wait3A_158] : memref<2x16x1x128xi32, #tpu.memory_space<vmem>> -> memref<1x16x1x128xi32, #tpu.memory_space<vmem>>
        %dma_wait3A_160 = tpu.memref_squeeze %dma_wait3A_159 : memref<1x16x1x128xi32, #tpu.memory_space<vmem>> -> memref<16x1x128xi32, #tpu.memory_space<vmem>>
        %dma_wait3A_161 = arith.constant 0 : i32
        %dma_wait3A_162 = arith.constant 0 : i32
        %dma_wait3A_163 = tpu.memref_slice %arg4[%add3A_98, %dma_wait3A_161, %dma_wait3A_162] : memref<2560x1x128xi32, #tpu.memory_space<hbm>> -> memref<16x1x128xi32, #tpu.memory_space<hbm>>
        tpu.wait_dma2 semaphore(%arg11 : memref<!tpu.dma_semaphore, #tpu.memory_space<semaphore_mem>>) src(%dma_wait3A_163 : memref<16x1x128xi32, #tpu.memory_space<hbm>>) dst(%dma_wait3A_160 : memref<16x1x128xi32, #tpu.memory_space<vmem>>)
      } else {
      }
      %lt3A_85 = arith.constant 80 : i32
      %lt3A_86 = arith.cmpi slt, %add3A_75, %lt3A_85 : i32
      %convert_element_type3A_87 = arith.extui %lt3A_86 : i1 to i32
      %cond3A_88 = arith.constant 0 : i32
      %cond3A_89 = arith.cmpi ne, %convert_element_type3A_87, %cond3A_88 : i32
      scf.if %cond3A_89 {
        %ge3A_94 = arith.constant 2 : i32
        %ge3A_95 = arith.cmpi sge, %add3A_75, %ge3A_94 : i32
        %convert_element_type3A_96 = arith.extui %ge3A_95 : i1 to i32
        %cond3A_97 = arith.constant 0 : i32
        %cond3A_98 = arith.cmpi ne, %convert_element_type3A_96, %cond3A_97 : i32
        scf.if %cond3A_98 {
          %sub3A = arith.constant 2 : i32
          %sub3A_120 = arith.subi %add3A_75, %sub3A : i32
          %rem3A_121 = arith.constant 2 : i32
          %rem3A_122 = arith.remsi %sub3A_120, %rem3A_121 : i32
          %div3A_123 = arith.constant 16 : i32
          %div3A_124 = arith.divsi %sub3A_120, %div3A_123 : i32
          %rem3A_125 = arith.constant 2 : i32
          %rem3A_126 = arith.remsi %div3A_124, %rem3A_125 : i32
          %rem3A_127 = arith.constant 16 : i32
          %rem3A_128 = arith.remsi %sub3A_120, %rem3A_127 : i32
          %dma_wait3A_129 = arith.constant 0 : i32
          %dma_wait3A_130 = arith.constant 0 : i32
          %dma_wait3A_131 = arith.constant 0 : i32
          %dma_wait3A_132 = tpu.memref_slice %arg9[%rem3A_122, %dma_wait3A_130, %dma_wait3A_131] : memref<2x128x128xf32, #tpu.memory_space<vmem>> -> memref<1x128x128xf32, #tpu.memory_space<vmem>>
          %dma_wait3A_133 = tpu.memref_squeeze %dma_wait3A_132 : memref<1x128x128xf32, #tpu.memory_space<vmem>> -> memref<128x128xf32, #tpu.memory_space<vmem>>
          %dma_wait3A_134 = arith.constant 0 : i32
          %dma_wait3A_135 = tpu.memref_slice %arg8[%rem3A_126, %rem3A_128, %dma_wait3A_129, %dma_wait3A_134] : memref<2x16x1x128xi32, #tpu.memory_space<vmem>> -> memref<1x1x1x128xi32, #tpu.memory_space<vmem>>
          %dma_wait3A_136 = tpu.memref_squeeze %dma_wait3A_135 : memref<1x1x1x128xi32, #tpu.memory_space<vmem>> -> memref<128xi32, #tpu.memory_space<vmem>>
          %dma_wait3A_137 = arith.constant 0 : i32
          %dma_wait3A_138 = arith.constant 0 : i32
          %dma_wait3A_139 = tpu.memref_slice %arg10[%dma_wait3A_137, %dma_wait3A_138] : memref<10008x128xf32, #tpu.memory_space<vmem_shared>> -> memref<10008x128xf32, #tpu.memory_space<vmem_shared>>
          %dma_wait3A_140 = tpu.memref_slice %arg13[%rem3A_122] : memref<2x!tpu.dma_semaphore, #tpu.memory_space<semaphore_mem>> -> memref<1x!tpu.dma_semaphore, #tpu.memory_space<semaphore_mem>>
          %dma_wait3A_141 = tpu.memref_squeeze %dma_wait3A_140 : memref<1x!tpu.dma_semaphore, #tpu.memory_space<semaphore_mem>> -> memref<!tpu.dma_semaphore, #tpu.memory_space<semaphore_mem>>
          tpu.wait_indirect_dma semaphore(%dma_wait3A_141 : memref<!tpu.dma_semaphore, #tpu.memory_space<semaphore_mem>>) src(%dma_wait3A_133 : memref<128x128xf32, #tpu.memory_space<vmem>>) dst(%dma_wait3A_139 : memref<10008x128xf32, #tpu.memory_space<vmem_shared>>)
        } else {
        }
        %rem3A_99 = arith.constant 2 : i32
        %rem3A_100 = arith.remsi %add3A_75, %rem3A_99 : i32
        %div3A_101 = arith.constant 16 : i32
        %div3A_102 = arith.divsi %add3A_75, %div3A_101 : i32
        %rem3A_103 = arith.constant 2 : i32
        %rem3A_104 = arith.remsi %div3A_102, %rem3A_103 : i32
        %rem3A_105 = arith.constant 16 : i32
        %rem3A_106 = arith.remsi %add3A_75, %rem3A_105 : i32
        %mul3A_107 = arith.constant 128 : i32
        %mul3A_108 = arith.muli %rem3A_106, %mul3A_107 : i32
        %dma_start3A = arith.constant 0 : i32
        %dma_start3A_109 = arith.constant 0 : i32
        %dma_start3A_110 = arith.constant 0 : i32
        %dma_start3A_111 = tpu.memref_slice %arg9[%rem3A_100, %dma_start3A_109, %dma_start3A_110] : memref<2x128x128xf32, #tpu.memory_space<vmem>> -> memref<1x128x128xf32, #tpu.memory_space<vmem>>
        %dma_start3A_112 = tpu.memref_squeeze %dma_start3A_111 : memref<1x128x128xf32, #tpu.memory_space<vmem>> -> memref<128x128xf32, #tpu.memory_space<vmem>>
        %dma_start3A_113 = tpu.memref_slice %arg7[%rem3A_104, %dma_start3A, %mul3A_108] : memref<2x1x2048xi32, #tpu.memory_space<vmem>> -> memref<1x1x128xi32, #tpu.memory_space<vmem>>
        %dma_start3A_114 = tpu.memref_squeeze %dma_start3A_113 : memref<1x1x128xi32, #tpu.memory_space<vmem>> -> memref<128xi32, #tpu.memory_space<vmem>>
        %dma_start3A_115 = arith.constant 0 : i32
        %dma_start3A_116 = arith.constant 0 : i32
        %dma_start3A_117 = tpu.memref_slice %arg2[%dma_start3A_115, %dma_start3A_116] : memref<10000x128xf32, #tpu.memory_space<hbm>> -> memref<10000x128xf32, #tpu.memory_space<hbm>>
        %dma_start3A_118 = tpu.memref_slice %arg12[%rem3A_100] : memref<2x!tpu.dma_semaphore, #tpu.memory_space<semaphore_mem>> -> memref<1x!tpu.dma_semaphore, #tpu.memory_space<semaphore_mem>>
        %dma_start3A_119 = tpu.memref_squeeze %dma_start3A_118 : memref<1x!tpu.dma_semaphore, #tpu.memory_space<semaphore_mem>> -> memref<!tpu.dma_semaphore, #tpu.memory_space<semaphore_mem>>
        tpu.enqueue_indirect_dma source(%dma_start3A_117 : memref<10000x128xf32, #tpu.memory_space<hbm>>) target(%dma_start3A_112 : memref<128x128xf32, #tpu.memory_space<vmem>>) offsets(%dma_start3A_114 : memref<128xi32, #tpu.memory_space<vmem>>) semaphore(%dma_start3A_119 : memref<!tpu.dma_semaphore, #tpu.memory_space<semaphore_mem>>)
      } else {
      }
      %ge3A = arith.constant 1 : i32
      %ge3A_90 = arith.cmpi sge, %add3A_75, %ge3A : i32
      %convert_element_type3A_91 = arith.extui %ge3A_90 : i1 to i32
      %cond3A_92 = arith.constant 0 : i32
      %cond3A_93 = arith.cmpi ne, %convert_element_type3A_91, %cond3A_92 : i32
      scf.if %cond3A_93 {
        %sub3A = arith.constant 1 : i32
        %sub3A_94 = arith.subi %add3A_75, %sub3A : i32
        %rem3A_95 = arith.constant 2 : i32
        %rem3A_96 = arith.remsi %sub3A_94, %rem3A_95 : i32
        %div3A_97 = arith.constant 16 : i32
        %div3A_98 = arith.divsi %sub3A_94, %div3A_97 : i32
        %rem3A_99 = arith.constant 2 : i32
        %rem3A_100 = arith.remsi %div3A_98, %rem3A_99 : i32
        %rem3A_101 = arith.constant 16 : i32
        %rem3A_102 = arith.remsi %sub3A_94, %rem3A_101 : i32
        %mul3A_103 = arith.constant 128 : i32
        %mul3A_104 = arith.muli %rem3A_102, %mul3A_103 : i32
        %dma_wait3A_105 = arith.constant 0 : i32
        %dma_wait3A_106 = arith.constant 0 : i32
        %dma_wait3A_107 = arith.constant 0 : i32
        %dma_wait3A_108 = tpu.memref_slice %arg9[%rem3A_96, %dma_wait3A_106, %dma_wait3A_107] : memref<2x128x128xf32, #tpu.memory_space<vmem>> -> memref<1x128x128xf32, #tpu.memory_space<vmem>>
        %dma_wait3A_109 = tpu.memref_squeeze %dma_wait3A_108 : memref<1x128x128xf32, #tpu.memory_space<vmem>> -> memref<128x128xf32, #tpu.memory_space<vmem>>
        %dma_wait3A_110 = tpu.memref_slice %arg7[%rem3A_100, %dma_wait3A_105, %mul3A_104] : memref<2x1x2048xi32, #tpu.memory_space<vmem>> -> memref<1x1x128xi32, #tpu.memory_space<vmem>>
        %dma_wait3A_111 = tpu.memref_squeeze %dma_wait3A_110 : memref<1x1x128xi32, #tpu.memory_space<vmem>> -> memref<128xi32, #tpu.memory_space<vmem>>
        %dma_wait3A_112 = arith.constant 0 : i32
        %dma_wait3A_113 = arith.constant 0 : i32
        %dma_wait3A_114 = tpu.memref_slice %arg2[%dma_wait3A_112, %dma_wait3A_113] : memref<10000x128xf32, #tpu.memory_space<hbm>> -> memref<10000x128xf32, #tpu.memory_space<hbm>>
        %dma_wait3A_115 = tpu.memref_slice %arg12[%rem3A_96] : memref<2x!tpu.dma_semaphore, #tpu.memory_space<semaphore_mem>> -> memref<1x!tpu.dma_semaphore, #tpu.memory_space<semaphore_mem>>
        %dma_wait3A_116 = tpu.memref_squeeze %dma_wait3A_115 : memref<1x!tpu.dma_semaphore, #tpu.memory_space<semaphore_mem>> -> memref<!tpu.dma_semaphore, #tpu.memory_space<semaphore_mem>>
        tpu.wait_indirect_dma semaphore(%dma_wait3A_116 : memref<!tpu.dma_semaphore, #tpu.memory_space<semaphore_mem>>) src(%dma_wait3A_114 : memref<10000x128xf32, #tpu.memory_space<hbm>>) dst(%dma_wait3A_109 : memref<128x128xf32, #tpu.memory_space<vmem>>)
        %rem3A_117 = arith.constant 2 : i32
        %rem3A_118 = arith.remsi %sub3A_94, %rem3A_117 : i32
        %div3A_119 = arith.constant 16 : i32
        %div3A_120 = arith.divsi %sub3A_94, %div3A_119 : i32
        %rem3A_121 = arith.constant 2 : i32
        %rem3A_122 = arith.remsi %div3A_120, %rem3A_121 : i32
        %rem3A_123 = arith.constant 16 : i32
        %rem3A_124 = arith.remsi %sub3A_94, %rem3A_123 : i32
        %dma_start3A = arith.constant 0 : i32
        %dma_start3A_125 = arith.constant 0 : i32
        %dma_start3A_126 = arith.constant 0 : i32
        %dma_start3A_127 = tpu.memref_slice %arg9[%rem3A_118, %dma_start3A_125, %dma_start3A_126] : memref<2x128x128xf32, #tpu.memory_space<vmem>> -> memref<1x128x128xf32, #tpu.memory_space<vmem>>
        %dma_start3A_128 = tpu.memref_squeeze %dma_start3A_127 : memref<1x128x128xf32, #tpu.memory_space<vmem>> -> memref<128x128xf32, #tpu.memory_space<vmem>>
        %dma_start3A_129 = arith.constant 0 : i32
        %dma_start3A_130 = tpu.memref_slice %arg8[%rem3A_122, %rem3A_124, %dma_start3A, %dma_start3A_129] : memref<2x16x1x128xi32, #tpu.memory_space<vmem>> -> memref<1x1x1x128xi32, #tpu.memory_space<vmem>>
        %dma_start3A_131 = tpu.memref_squeeze %dma_start3A_130 : memref<1x1x1x128xi32, #tpu.memory_space<vmem>> -> memref<128xi32, #tpu.memory_space<vmem>>
        %dma_start3A_132 = arith.constant 0 : i32
        %dma_start3A_133 = arith.constant 0 : i32
        %dma_start3A_134 = tpu.memref_slice %arg10[%dma_start3A_132, %dma_start3A_133] : memref<10008x128xf32, #tpu.memory_space<vmem_shared>> -> memref<10008x128xf32, #tpu.memory_space<vmem_shared>>
        %dma_start3A_135 = tpu.memref_slice %arg13[%rem3A_118] : memref<2x!tpu.dma_semaphore, #tpu.memory_space<semaphore_mem>> -> memref<1x!tpu.dma_semaphore, #tpu.memory_space<semaphore_mem>>
        %dma_start3A_136 = tpu.memref_squeeze %dma_start3A_135 : memref<1x!tpu.dma_semaphore, #tpu.memory_space<semaphore_mem>> -> memref<!tpu.dma_semaphore, #tpu.memory_space<semaphore_mem>>
        tpu.enqueue_indirect_dma source(%dma_start3A_128 : memref<128x128xf32, #tpu.memory_space<vmem>>) target(%dma_start3A_134 : memref<10008x128xf32, #tpu.memory_space<vmem_shared>>) offsets(%dma_start3A_131 : memref<128xi32, #tpu.memory_space<vmem>>) semaphore(%dma_start3A_136 : memref<!tpu.dma_semaphore, #tpu.memory_space<semaphore_mem>>) {add = true}
      } else {
      }
    }
    %scan3A_12 = arith.constant 81 : i32
    %rem3A = arith.constant 78 : i32
    %rem3A_13 = arith.constant 2 : i32
    %rem3A_14 = arith.remsi %rem3A, %rem3A_13 : i32
    %div3A = arith.constant 78 : i32
    %div3A_15 = arith.constant 16 : i32
    %div3A_16 = arith.divsi %div3A, %div3A_15 : i32
    %rem3A_17 = arith.constant 2 : i32
    %rem3A_18 = arith.remsi %div3A_16, %rem3A_17 : i32
    %rem3A_19 = arith.constant 78 : i32
    %rem3A_20 = arith.constant 16 : i32
    %rem3A_21 = arith.remsi %rem3A_19, %rem3A_20 : i32
    %dma_wait3A = arith.constant 0 : i32
    %dma_wait3A_22 = arith.constant 0 : i32
    %dma_wait3A_23 = arith.constant 0 : i32
    %dma_wait3A_24 = tpu.memref_slice %arg9[%rem3A_14, %dma_wait3A_22, %dma_wait3A_23] : memref<2x128x128xf32, #tpu.memory_space<vmem>> -> memref<1x128x128xf32, #tpu.memory_space<vmem>>
    %dma_wait3A_25 = tpu.memref_squeeze %dma_wait3A_24 : memref<1x128x128xf32, #tpu.memory_space<vmem>> -> memref<128x128xf32, #tpu.memory_space<vmem>>
    %dma_wait3A_26 = arith.constant 0 : i32
    %dma_wait3A_27 = tpu.memref_slice %arg8[%rem3A_18, %rem3A_21, %dma_wait3A, %dma_wait3A_26] : memref<2x16x1x128xi32, #tpu.memory_space<vmem>> -> memref<1x1x1x128xi32, #tpu.memory_space<vmem>>
    %dma_wait3A_28 = tpu.memref_squeeze %dma_wait3A_27 : memref<1x1x1x128xi32, #tpu.memory_space<vmem>> -> memref<128xi32, #tpu.memory_space<vmem>>
    %dma_wait3A_29 = arith.constant 0 : i32
    %dma_wait3A_30 = arith.constant 0 : i32
    %dma_wait3A_31 = tpu.memref_slice %arg10[%dma_wait3A_29, %dma_wait3A_30] : memref<10008x128xf32, #tpu.memory_space<vmem_shared>> -> memref<10008x128xf32, #tpu.memory_space<vmem_shared>>
    %dma_wait3A_32 = tpu.memref_slice %arg13[%rem3A_14] : memref<2x!tpu.dma_semaphore, #tpu.memory_space<semaphore_mem>> -> memref<1x!tpu.dma_semaphore, #tpu.memory_space<semaphore_mem>>
    %dma_wait3A_33 = tpu.memref_squeeze %dma_wait3A_32 : memref<1x!tpu.dma_semaphore, #tpu.memory_space<semaphore_mem>> -> memref<!tpu.dma_semaphore, #tpu.memory_space<semaphore_mem>>
    tpu.wait_indirect_dma semaphore(%dma_wait3A_33 : memref<!tpu.dma_semaphore, #tpu.memory_space<semaphore_mem>>) src(%dma_wait3A_25 : memref<128x128xf32, #tpu.memory_space<vmem>>) dst(%dma_wait3A_31 : memref<10008x128xf32, #tpu.memory_space<vmem_shared>>)
    %rem3A_34 = arith.constant 79 : i32
    %rem3A_35 = arith.constant 2 : i32
    %rem3A_36 = arith.remsi %rem3A_34, %rem3A_35 : i32
    %div3A_37 = arith.constant 79 : i32
    %div3A_38 = arith.constant 16 : i32
    %div3A_39 = arith.divsi %div3A_37, %div3A_38 : i32
    %rem3A_40 = arith.constant 2 : i32
    %rem3A_41 = arith.remsi %div3A_39, %rem3A_40 : i32
    %rem3A_42 = arith.constant 79 : i32
    %rem3A_43 = arith.constant 16 : i32
    %rem3A_44 = arith.remsi %rem3A_42, %rem3A_43 : i32
    %dma_wait3A_45 = arith.constant 0 : i32
    %dma_wait3A_46 = arith.constant 0 : i32
    %dma_wait3A_47 = arith.constant 0 : i32
    %dma_wait3A_48 = tpu.memref_slice %arg9[%rem3A_36, %dma_wait3A_46, %dma_wait3A_47] : memref<2x128x128xf32, #tpu.memory_space<vmem>> -> memref<1x128x128xf32, #tpu.memory_space<vmem>>
    %dma_wait3A_49 = tpu.memref_squeeze %dma_wait3A_48 : memref<1x128x128xf32, #tpu.memory_space<vmem>> -> memref<128x128xf32, #tpu.memory_space<vmem>>
    %dma_wait3A_50 = arith.constant 0 : i32
    %dma_wait3A_51 = tpu.memref_slice %arg8[%rem3A_41, %rem3A_44, %dma_wait3A_45, %dma_wait3A_50] : memref<2x16x1x128xi32, #tpu.memory_space<vmem>> -> memref<1x1x1x128xi32, #tpu.memory_space<vmem>>
    %dma_wait3A_52 = tpu.memref_squeeze %dma_wait3A_51 : memref<1x1x1x128xi32, #tpu.memory_space<vmem>> -> memref<128xi32, #tpu.memory_space<vmem>>
    %dma_wait3A_53 = arith.constant 0 : i32
    %dma_wait3A_54 = arith.constant 0 : i32
    %dma_wait3A_55 = tpu.memref_slice %arg10[%dma_wait3A_53, %dma_wait3A_54] : memref<10008x128xf32, #tpu.memory_space<vmem_shared>> -> memref<10008x128xf32, #tpu.memory_space<vmem_shared>>
    %dma_wait3A_56 = tpu.memref_slice %arg13[%rem3A_36] : memref<2x!tpu.dma_semaphore, #tpu.memory_space<semaphore_mem>> -> memref<1x!tpu.dma_semaphore, #tpu.memory_space<semaphore_mem>>
    %dma_wait3A_57 = tpu.memref_squeeze %dma_wait3A_56 : memref<1x!tpu.dma_semaphore, #tpu.memory_space<semaphore_mem>> -> memref<!tpu.dma_semaphore, #tpu.memory_space<semaphore_mem>>
    tpu.wait_indirect_dma semaphore(%dma_wait3A_57 : memref<!tpu.dma_semaphore, #tpu.memory_space<semaphore_mem>>) src(%dma_wait3A_49 : memref<128x128xf32, #tpu.memory_space<vmem>>) dst(%dma_wait3A_55 : memref<10008x128xf32, #tpu.memory_space<vmem_shared>>)
    %barrier3A_58 = arith.constant 0 : index
    tpu.barrier barrier_id(%barrier3A_58)
    %mul3A_59 = arith.constant 632 : i32
    %mul3A_60 = arith.muli %arg1, %mul3A_59 : i32
    %lt3A_61 = arith.constant 15 : i32
    %lt3A_62 = arith.cmpi slt, %arg1, %lt3A_61 : i32
    %convert_element_type3A_63 = arith.extui %lt3A_62 : i1 to i32
    %cond3A_64 = arith.constant 0 : i32
    %cond3A_65 = arith.cmpi ne, %convert_element_type3A_63, %cond3A_64 : i32
    scf.if %cond3A_65 {
      "tpu.region"() ({
        %run_scoped3A = tpu.sem_alloc : memref<!tpu.dma_semaphore, #tpu.memory_space<semaphore_mem>>
        %dma_start3A = arith.constant 0 : i32
        %dma_start3A_71 = arith.constant 0 : i32
        %dma_start3A_72 = tpu.memref_slice %arg6[%arg0, %dma_start3A, %dma_start3A_71] : memref<2x10000x128xf32, #tpu.memory_space<hbm>> -> memref<1x10000x128xf32, #tpu.memory_space<hbm>>
        %dma_start3A_73 = tpu.memref_squeeze %dma_start3A_72 : memref<1x10000x128xf32, #tpu.memory_space<hbm>> -> memref<10000x128xf32, #tpu.memory_space<hbm>>
        %dma_start3A_74 = arith.constant 0 : i32
        %dma_start3A_75 = tpu.memref_slice %dma_start3A_73[%mul3A_60, %dma_start3A_74] : memref<10000x128xf32, #tpu.memory_space<hbm>> -> memref<632x128xf32, #tpu.memory_space<hbm>>
        %dma_start3A_76 = arith.constant 0 : i32
        %dma_start3A_77 = tpu.memref_slice %arg10[%mul3A_60, %dma_start3A_76] : memref<10008x128xf32, #tpu.memory_space<vmem_shared>> -> memref<632x128xf32, #tpu.memory_space<vmem_shared>>
        tpu.enqueue_dma source(%dma_start3A_77 : memref<632x128xf32, #tpu.memory_space<vmem_shared>>) target(%dma_start3A_75 : memref<632x128xf32, #tpu.memory_space<hbm>>) target_semaphore(%run_scoped3A : memref<!tpu.dma_semaphore, #tpu.memory_space<semaphore_mem>>)
        %dma_wait3A_78 = arith.constant 0 : i32
        %dma_wait3A_79 = arith.constant 0 : i32
        %dma_wait3A_80 = tpu.memref_slice %arg6[%arg0, %dma_wait3A_78, %dma_wait3A_79] : memref<2x10000x128xf32, #tpu.memory_space<hbm>> -> memref<1x10000x128xf32, #tpu.memory_space<hbm>>
        %dma_wait3A_81 = tpu.memref_squeeze %dma_wait3A_80 : memref<1x10000x128xf32, #tpu.memory_space<hbm>> -> memref<10000x128xf32, #tpu.memory_space<hbm>>
        %dma_wait3A_82 = arith.constant 0 : i32
        %dma_wait3A_83 = tpu.memref_slice %dma_wait3A_81[%mul3A_60, %dma_wait3A_82] : memref<10000x128xf32, #tpu.memory_space<hbm>> -> memref<632x128xf32, #tpu.memory_space<hbm>>
        %dma_wait3A_84 = arith.constant 0 : i32
        %dma_wait3A_85 = tpu.memref_slice %arg10[%mul3A_60, %dma_wait3A_84] : memref<10008x128xf32, #tpu.memory_space<vmem_shared>> -> memref<632x128xf32, #tpu.memory_space<vmem_shared>>
        tpu.wait_dma2 semaphore(%run_scoped3A : memref<!tpu.dma_semaphore, #tpu.memory_space<semaphore_mem>>) src(%dma_wait3A_85 : memref<632x128xf32, #tpu.memory_space<vmem_shared>>) dst(%dma_wait3A_83 : memref<632x128xf32, #tpu.memory_space<hbm>>)
        tpu.yield
      }) : () -> ()
    } else {
    }
    %eq3A_66 = arith.constant 15 : i32
    %eq3A_67 = arith.cmpi eq, %arg1, %eq3A_66 : i32
    %convert_element_type3A_68 = arith.extui %eq3A_67 : i1 to i32
    %cond3A_69 = arith.constant 0 : i32
    %cond3A_70 = arith.cmpi ne, %convert_element_type3A_68, %cond3A_69 : i32
    scf.if %cond3A_70 {
      "tpu.region"() ({
        %run_scoped3A = tpu.sem_alloc : memref<!tpu.dma_semaphore, #tpu.memory_space<semaphore_mem>>
        %dma_start3A = arith.constant 0 : i32
        %dma_start3A_71 = arith.constant 0 : i32
        %dma_start3A_72 = tpu.memref_slice %arg6[%arg0, %dma_start3A, %dma_start3A_71] : memref<2x10000x128xf32, #tpu.memory_space<hbm>> -> memref<1x10000x128xf32, #tpu.memory_space<hbm>>
        %dma_start3A_73 = tpu.memref_squeeze %dma_start3A_72 : memref<1x10000x128xf32, #tpu.memory_space<hbm>> -> memref<10000x128xf32, #tpu.memory_space<hbm>>
        %dma_start3A_74 = arith.constant 9480 : i32
        %dma_start3A_75 = arith.constant 0 : i32
        %dma_start3A_76 = tpu.memref_slice %dma_start3A_73[%dma_start3A_74, %dma_start3A_75] : memref<10000x128xf32, #tpu.memory_space<hbm>> -> memref<520x128xf32, #tpu.memory_space<hbm>>
        %dma_start3A_77 = arith.constant 9480 : i32
        %dma_start3A_78 = arith.constant 0 : i32
        %dma_start3A_79 = tpu.memref_slice %arg10[%dma_start3A_77, %dma_start3A_78] : memref<10008x128xf32, #tpu.memory_space<vmem_shared>> -> memref<520x128xf32, #tpu.memory_space<vmem_shared>>
        tpu.enqueue_dma source(%dma_start3A_79 : memref<520x128xf32, #tpu.memory_space<vmem_shared>>) target(%dma_start3A_76 : memref<520x128xf32, #tpu.memory_space<hbm>>) target_semaphore(%run_scoped3A : memref<!tpu.dma_semaphore, #tpu.memory_space<semaphore_mem>>)
        %dma_wait3A_80 = arith.constant 0 : i32
        %dma_wait3A_81 = arith.constant 0 : i32
        %dma_wait3A_82 = tpu.memref_slice %arg6[%arg0, %dma_wait3A_80, %dma_wait3A_81] : memref<2x10000x128xf32, #tpu.memory_space<hbm>> -> memref<1x10000x128xf32, #tpu.memory_space<hbm>>
        %dma_wait3A_83 = tpu.memref_squeeze %dma_wait3A_82 : memref<1x10000x128xf32, #tpu.memory_space<hbm>> -> memref<10000x128xf32, #tpu.memory_space<hbm>>
        %dma_wait3A_84 = arith.constant 9480 : i32
        %dma_wait3A_85 = arith.constant 0 : i32
        %dma_wait3A_86 = tpu.memref_slice %dma_wait3A_83[%dma_wait3A_84, %dma_wait3A_85] : memref<10000x128xf32, #tpu.memory_space<hbm>> -> memref<520x128xf32, #tpu.memory_space<hbm>>
        %dma_wait3A_87 = arith.constant 9480 : i32
        %dma_wait3A_88 = arith.constant 0 : i32
        %dma_wait3A_89 = tpu.memref_slice %arg10[%dma_wait3A_87, %dma_wait3A_88] : memref<10008x128xf32, #tpu.memory_space<vmem_shared>> -> memref<520x128xf32, #tpu.memory_space<vmem_shared>>
        tpu.wait_dma2 semaphore(%run_scoped3A : memref<!tpu.dma_semaphore, #tpu.memory_space<semaphore_mem>>) src(%dma_wait3A_89 : memref<520x128xf32, #tpu.memory_space<vmem_shared>>) dst(%dma_wait3A_86 : memref<520x128xf32, #tpu.memory_space<hbm>>)
        tpu.yield
      }) : () -> ()
    } else {
    }
    return
  }
}

#map = affine_map<(d0, d1) -> (0)>
#map1 = affine_map<(d0, d1) -> (0, 0)>
#map2 = affine_map<(d0, d1) -> (0, 0, 0, 0)>
module attributes {stable_mosaic.version = 14 : i64} {
  func.func @deg_kernel(%arg0: i32, %arg1: i32, %arg2: memref<327680xi32, #tpu.memory_space<hbm>>, %arg3: memref<327680xi32, #tpu.memory_space<hbm>>, %arg4: memref<10008x128xf32, #tpu.memory_space<hbm>>, %arg5: memref<2x16x80x128xf32, #tpu.memory_space<hbm>>, %arg6: memref<2x16x80x128xf32, #tpu.memory_space<hbm>>, %arg7: memref<10240xi32, #tpu.memory_space<vmem>>, %arg8: memref<10240xi32, #tpu.memory_space<vmem>>, %arg9: memref<80x128xf32, #tpu.memory_space<vmem>>, %arg10: memref<80x128xf32, #tpu.memory_space<vmem>>, %arg11: memref<!tpu.dma_semaphore, #tpu.memory_space<semaphore_mem>>) attributes {dimension_semantics = [#tpu.dimension_semantics<core_parallel>, #tpu.dimension_semantics<subcore_parallel>], iteration_bounds = array<i64: 2, 16>, scalar_prefetch = 0 : i64, scratch_operands = 5 : i64, tpu.core_type = #tpu.core_type<sc_vector_subcore>, window_params = [{transform_indices = #map}, {transform_indices = #map}, {transform_indices = #map1}, {transform_indices = #map2}, {transform_indices = #map2}]} {
    %mul3A = arith.constant 16 : i32
    %mul3A_0 = arith.muli %arg0, %mul3A : i32
    %add3A = arith.addi %mul3A_0, %arg1 : i32
    %mul3A_1 = arith.constant 10240 : i32
    %mul3A_2 = arith.muli %add3A, %mul3A_1 : i32
    %dma_start3A = tpu.memref_slice %arg2[%mul3A_2] : memref<327680xi32, #tpu.memory_space<hbm>> -> memref<10240xi32, #tpu.memory_space<hbm>>
    %dma_start3A_3 = tpu.memref_slice %arg2[%mul3A_2] : memref<327680xi32, #tpu.memory_space<hbm>> -> memref<10240xi32, #tpu.memory_space<hbm>>
    tpu.enqueue_dma source(%dma_start3A_3 : memref<10240xi32, #tpu.memory_space<hbm>>) target(%arg7 : memref<10240xi32, #tpu.memory_space<vmem>>) target_semaphore(%arg11 : memref<!tpu.dma_semaphore, #tpu.memory_space<semaphore_mem>>)
    %dma_wait3A = tpu.memref_slice %arg2[%mul3A_2] : memref<327680xi32, #tpu.memory_space<hbm>> -> memref<10240xi32, #tpu.memory_space<hbm>>
    %dma_wait3A_4 = tpu.memref_slice %arg2[%mul3A_2] : memref<327680xi32, #tpu.memory_space<hbm>> -> memref<10240xi32, #tpu.memory_space<hbm>>
    tpu.wait_dma2 semaphore(%arg11 : memref<!tpu.dma_semaphore, #tpu.memory_space<semaphore_mem>>) src(%dma_wait3A_4 : memref<10240xi32, #tpu.memory_space<hbm>>) dst(%arg7 : memref<10240xi32, #tpu.memory_space<vmem>>)
    %dma_start3A_5 = tpu.memref_slice %arg3[%mul3A_2] : memref<327680xi32, #tpu.memory_space<hbm>> -> memref<10240xi32, #tpu.memory_space<hbm>>
    %dma_start3A_6 = tpu.memref_slice %arg3[%mul3A_2] : memref<327680xi32, #tpu.memory_space<hbm>> -> memref<10240xi32, #tpu.memory_space<hbm>>
    tpu.enqueue_dma source(%dma_start3A_6 : memref<10240xi32, #tpu.memory_space<hbm>>) target(%arg8 : memref<10240xi32, #tpu.memory_space<vmem>>) target_semaphore(%arg11 : memref<!tpu.dma_semaphore, #tpu.memory_space<semaphore_mem>>)
    %dma_wait3A_7 = tpu.memref_slice %arg3[%mul3A_2] : memref<327680xi32, #tpu.memory_space<hbm>> -> memref<10240xi32, #tpu.memory_space<hbm>>
    %dma_wait3A_8 = tpu.memref_slice %arg3[%mul3A_2] : memref<327680xi32, #tpu.memory_space<hbm>> -> memref<10240xi32, #tpu.memory_space<hbm>>
    tpu.wait_dma2 semaphore(%arg11 : memref<!tpu.dma_semaphore, #tpu.memory_space<semaphore_mem>>) src(%dma_wait3A_8 : memref<10240xi32, #tpu.memory_space<hbm>>) dst(%arg8 : memref<10240xi32, #tpu.memory_space<vmem>>)
    "tpu.region"() ({
      %run_scoped3A = tpu.sem_alloc : memref<!tpu.dma_semaphore, #tpu.memory_space<semaphore_mem>>
      %dma_start3A_14 = arith.constant 0 : i32
      %dma_start3A_15 = arith.constant 0 : i32
      %dma_start3A_16 = tpu.memref_slice %arg4[%dma_start3A_14, %dma_start3A_15] : memref<10008x128xf32, #tpu.memory_space<hbm>> -> memref<80x128xf32, #tpu.memory_space<hbm>>
      %dma_start3A_17 = arith.constant 0 : i32
      %dma_start3A_18 = arith.constant 0 : i32
      %dma_start3A_19 = tpu.memref_slice %arg4[%dma_start3A_17, %dma_start3A_18] : memref<10008x128xf32, #tpu.memory_space<hbm>> -> memref<80x128xf32, #tpu.memory_space<hbm>>
      tpu.enqueue_dma source(%dma_start3A_19 : memref<80x128xf32, #tpu.memory_space<hbm>>) target(%arg9 : memref<80x128xf32, #tpu.memory_space<vmem>>) target_semaphore(%run_scoped3A : memref<!tpu.dma_semaphore, #tpu.memory_space<semaphore_mem>>)
      %dma_wait3A_20 = arith.constant 0 : i32
      %dma_wait3A_21 = arith.constant 0 : i32
      %dma_wait3A_22 = tpu.memref_slice %arg4[%dma_wait3A_20, %dma_wait3A_21] : memref<10008x128xf32, #tpu.memory_space<hbm>> -> memref<80x128xf32, #tpu.memory_space<hbm>>
      %dma_wait3A_23 = arith.constant 0 : i32
      %dma_wait3A_24 = arith.constant 0 : i32
      %dma_wait3A_25 = tpu.memref_slice %arg4[%dma_wait3A_23, %dma_wait3A_24] : memref<10008x128xf32, #tpu.memory_space<hbm>> -> memref<80x128xf32, #tpu.memory_space<hbm>>
      tpu.wait_dma2 semaphore(%run_scoped3A : memref<!tpu.dma_semaphore, #tpu.memory_space<semaphore_mem>>) src(%dma_wait3A_25 : memref<80x128xf32, #tpu.memory_space<hbm>>) dst(%arg9 : memref<80x128xf32, #tpu.memory_space<vmem>>)
      tpu.yield
    }) : () -> ()
    "tpu.region"() ({
      %run_scoped3A = tpu.sem_alloc : memref<!tpu.dma_semaphore, #tpu.memory_space<semaphore_mem>>
      %dma_start3A_14 = arith.constant 0 : i32
      %dma_start3A_15 = arith.constant 0 : i32
      %dma_start3A_16 = tpu.memref_slice %arg4[%dma_start3A_14, %dma_start3A_15] : memref<10008x128xf32, #tpu.memory_space<hbm>> -> memref<80x128xf32, #tpu.memory_space<hbm>>
      %dma_start3A_17 = arith.constant 0 : i32
      %dma_start3A_18 = arith.constant 0 : i32
      %dma_start3A_19 = tpu.memref_slice %arg4[%dma_start3A_17, %dma_start3A_18] : memref<10008x128xf32, #tpu.memory_space<hbm>> -> memref<80x128xf32, #tpu.memory_space<hbm>>
      tpu.enqueue_dma source(%dma_start3A_19 : memref<80x128xf32, #tpu.memory_space<hbm>>) target(%arg10 : memref<80x128xf32, #tpu.memory_space<vmem>>) target_semaphore(%run_scoped3A : memref<!tpu.dma_semaphore, #tpu.memory_space<semaphore_mem>>)
      %dma_wait3A_20 = arith.constant 0 : i32
      %dma_wait3A_21 = arith.constant 0 : i32
      %dma_wait3A_22 = tpu.memref_slice %arg4[%dma_wait3A_20, %dma_wait3A_21] : memref<10008x128xf32, #tpu.memory_space<hbm>> -> memref<80x128xf32, #tpu.memory_space<hbm>>
      %dma_wait3A_23 = arith.constant 0 : i32
      %dma_wait3A_24 = arith.constant 0 : i32
      %dma_wait3A_25 = tpu.memref_slice %arg4[%dma_wait3A_23, %dma_wait3A_24] : memref<10008x128xf32, #tpu.memory_space<hbm>> -> memref<80x128xf32, #tpu.memory_space<hbm>>
      tpu.wait_dma2 semaphore(%run_scoped3A : memref<!tpu.dma_semaphore, #tpu.memory_space<semaphore_mem>>) src(%dma_wait3A_25 : memref<80x128xf32, #tpu.memory_space<hbm>>) dst(%arg10 : memref<80x128xf32, #tpu.memory_space<vmem>>)
      tpu.yield
    }) : () -> ()
    %broadcast_in_dim3A = arith.constant 1.000000e+00 : f32
    %broadcast_in_dim3A_9 = vector.broadcast %broadcast_in_dim3A : f32 to vector<16xf32>
    %scan3A = arith.constant 0 : i32
    %scan3A_10 = arith.constant 640 : i32
    %scan3A_11 = arith.addi %scan3A, %scan3A_10 : i32
    %scan3A_12 = arith.constant 1 : i32
    scf.for %scan3A_14 = %scan3A to %scan3A_11 step %scan3A_12  : i32 {
      %mul3A_15 = arith.constant 1 : i32
      %mul3A_16 = arith.muli %scan3A_14, %mul3A_15 : i32
      %add3A_17 = arith.constant 0 : i32
      %add3A_18 = arith.addi %add3A_17, %mul3A_16 : i32
      %mul3A_19 = arith.constant 16 : i32
      %mul3A_20 = arith.muli %add3A_18, %mul3A_19 : i32
      %get3A = arith.index_cast %mul3A_20 : i32 to index
      %get3A_21 = tpu.vector_load %arg7[%get3A] {strides = array<i32>} : memref<10240xi32, #tpu.memory_space<vmem>>, vector<16xi32>,
      %shift_right_logical3A = arith.constant 7 : i32
      %shift_right_logical3A_22 = vector.broadcast %shift_right_logical3A : i32 to vector<16xi32>
      %shift_right_logical3A_23 = arith.shrui %get3A_21, %shift_right_logical3A_22 : vector<16xi32>
      %and3A = arith.constant 127 : i32
      %and3A_24 = vector.broadcast %and3A : i32 to vector<16xi32>
      %and3A_25 = arith.andi %get3A_21, %and3A_24 : vector<16xi32>
      tpu.vector_store_idx %arg9[%shift_right_logical3A_23, %and3A_25], %broadcast_in_dim3A_9 {add = true} : memref<80x128xf32, #tpu.memory_space<vmem>>[vector<16xi32>, vector<16xi32>], vector<16xf32>,
      %mul3A_26 = arith.constant 16 : i32
      %mul3A_27 = arith.muli %add3A_18, %mul3A_26 : i32
      %get3A_28 = arith.index_cast %mul3A_27 : i32 to index
      %get3A_29 = tpu.vector_load %arg8[%get3A_28] {strides = array<i32>} : memref<10240xi32, #tpu.memory_space<vmem>>, vector<16xi32>,
      %shift_right_logical3A_30 = arith.constant 7 : i32
      %shift_right_logical3A_31 = vector.broadcast %shift_right_logical3A_30 : i32 to vector<16xi32>
      %shift_right_logical3A_32 = arith.shrui %get3A_29, %shift_right_logical3A_31 : vector<16xi32>
      %and3A_33 = arith.constant 127 : i32
      %and3A_34 = vector.broadcast %and3A_33 : i32 to vector<16xi32>
      %and3A_35 = arith.andi %get3A_29, %and3A_34 : vector<16xi32>
      tpu.vector_store_idx %arg10[%shift_right_logical3A_32, %and3A_35], %broadcast_in_dim3A_9 {add = true} : memref<80x128xf32, #tpu.memory_space<vmem>>[vector<16xi32>, vector<16xi32>], vector<16xf32>,
    }
    %scan3A_13 = arith.constant 640 : i32
    "tpu.region"() ({
      %run_scoped3A = tpu.sem_alloc : memref<!tpu.dma_semaphore, #tpu.memory_space<semaphore_mem>>
      %dma_start3A_14 = arith.constant 0 : i32
      %dma_start3A_15 = arith.constant 0 : i32
      %dma_start3A_16 = tpu.memref_slice %arg5[%arg0, %arg1, %dma_start3A_14, %dma_start3A_15] : memref<2x16x80x128xf32, #tpu.memory_space<hbm>> -> memref<1x1x80x128xf32, #tpu.memory_space<hbm>>
      %dma_start3A_17 = tpu.memref_squeeze %dma_start3A_16 : memref<1x1x80x128xf32, #tpu.memory_space<hbm>> -> memref<80x128xf32, #tpu.memory_space<hbm>>
      %dma_start3A_18 = arith.constant 0 : i32
      %dma_start3A_19 = arith.constant 0 : i32
      %dma_start3A_20 = tpu.memref_slice %arg5[%arg0, %arg1, %dma_start3A_18, %dma_start3A_19] : memref<2x16x80x128xf32, #tpu.memory_space<hbm>> -> memref<1x1x80x128xf32, #tpu.memory_space<hbm>>
      %dma_start3A_21 = tpu.memref_squeeze %dma_start3A_20 : memref<1x1x80x128xf32, #tpu.memory_space<hbm>> -> memref<80x128xf32, #tpu.memory_space<hbm>>
      tpu.enqueue_dma source(%arg9 : memref<80x128xf32, #tpu.memory_space<vmem>>) target(%dma_start3A_21 : memref<80x128xf32, #tpu.memory_space<hbm>>) target_semaphore(%run_scoped3A : memref<!tpu.dma_semaphore, #tpu.memory_space<semaphore_mem>>)
      %dma_wait3A_22 = arith.constant 0 : i32
      %dma_wait3A_23 = arith.constant 0 : i32
      %dma_wait3A_24 = tpu.memref_slice %arg5[%arg0, %arg1, %dma_wait3A_22, %dma_wait3A_23] : memref<2x16x80x128xf32, #tpu.memory_space<hbm>> -> memref<1x1x80x128xf32, #tpu.memory_space<hbm>>
      %dma_wait3A_25 = tpu.memref_squeeze %dma_wait3A_24 : memref<1x1x80x128xf32, #tpu.memory_space<hbm>> -> memref<80x128xf32, #tpu.memory_space<hbm>>
      %dma_wait3A_26 = arith.constant 0 : i32
      %dma_wait3A_27 = arith.constant 0 : i32
      %dma_wait3A_28 = tpu.memref_slice %arg5[%arg0, %arg1, %dma_wait3A_26, %dma_wait3A_27] : memref<2x16x80x128xf32, #tpu.memory_space<hbm>> -> memref<1x1x80x128xf32, #tpu.memory_space<hbm>>
      %dma_wait3A_29 = tpu.memref_squeeze %dma_wait3A_28 : memref<1x1x80x128xf32, #tpu.memory_space<hbm>> -> memref<80x128xf32, #tpu.memory_space<hbm>>
      tpu.wait_dma2 semaphore(%run_scoped3A : memref<!tpu.dma_semaphore, #tpu.memory_space<semaphore_mem>>) src(%arg9 : memref<80x128xf32, #tpu.memory_space<vmem>>) dst(%dma_wait3A_29 : memref<80x128xf32, #tpu.memory_space<hbm>>)
      tpu.yield
    }) : () -> ()
    "tpu.region"() ({
      %run_scoped3A = tpu.sem_alloc : memref<!tpu.dma_semaphore, #tpu.memory_space<semaphore_mem>>
      %dma_start3A_14 = arith.constant 0 : i32
      %dma_start3A_15 = arith.constant 0 : i32
      %dma_start3A_16 = tpu.memref_slice %arg6[%arg0, %arg1, %dma_start3A_14, %dma_start3A_15] : memref<2x16x80x128xf32, #tpu.memory_space<hbm>> -> memref<1x1x80x128xf32, #tpu.memory_space<hbm>>
      %dma_start3A_17 = tpu.memref_squeeze %dma_start3A_16 : memref<1x1x80x128xf32, #tpu.memory_space<hbm>> -> memref<80x128xf32, #tpu.memory_space<hbm>>
      %dma_start3A_18 = arith.constant 0 : i32
      %dma_start3A_19 = arith.constant 0 : i32
      %dma_start3A_20 = tpu.memref_slice %arg6[%arg0, %arg1, %dma_start3A_18, %dma_start3A_19] : memref<2x16x80x128xf32, #tpu.memory_space<hbm>> -> memref<1x1x80x128xf32, #tpu.memory_space<hbm>>
      %dma_start3A_21 = tpu.memref_squeeze %dma_start3A_20 : memref<1x1x80x128xf32, #tpu.memory_space<hbm>> -> memref<80x128xf32, #tpu.memory_space<hbm>>
      tpu.enqueue_dma source(%arg10 : memref<80x128xf32, #tpu.memory_space<vmem>>) target(%dma_start3A_21 : memref<80x128xf32, #tpu.memory_space<hbm>>) target_semaphore(%run_scoped3A : memref<!tpu.dma_semaphore, #tpu.memory_space<semaphore_mem>>)
      %dma_wait3A_22 = arith.constant 0 : i32
      %dma_wait3A_23 = arith.constant 0 : i32
      %dma_wait3A_24 = tpu.memref_slice %arg6[%arg0, %arg1, %dma_wait3A_22, %dma_wait3A_23] : memref<2x16x80x128xf32, #tpu.memory_space<hbm>> -> memref<1x1x80x128xf32, #tpu.memory_space<hbm>>
      %dma_wait3A_25 = tpu.memref_squeeze %dma_wait3A_24 : memref<1x1x80x128xf32, #tpu.memory_space<hbm>> -> memref<80x128xf32, #tpu.memory_space<hbm>>
      %dma_wait3A_26 = arith.constant 0 : i32
      %dma_wait3A_27 = arith.constant 0 : i32
      %dma_wait3A_28 = tpu.memref_slice %arg6[%arg0, %arg1, %dma_wait3A_26, %dma_wait3A_27] : memref<2x16x80x128xf32, #tpu.memory_space<hbm>> -> memref<1x1x80x128xf32, #tpu.memory_space<hbm>>
      %dma_wait3A_29 = tpu.memref_squeeze %dma_wait3A_28 : memref<1x1x80x128xf32, #tpu.memory_space<hbm>> -> memref<80x128xf32, #tpu.memory_space<hbm>>
      tpu.wait_dma2 semaphore(%run_scoped3A : memref<!tpu.dma_semaphore, #tpu.memory_space<semaphore_mem>>) src(%arg10 : memref<80x128xf32, #tpu.memory_space<vmem>>) dst(%dma_wait3A_29 : memref<80x128xf32, #tpu.memory_space<hbm>>)
      tpu.yield
    }) : () -> ()
    return
  }
}

#map = affine_map<(d0, d1) -> (0, 0)>
#map1 = affine_map<(d0, d1) -> (0, 0, 0)>
module attributes {stable_mosaic.version = 14 : i64} {
  func.func @edge_kernel(%arg0: i32, %arg1: i32, %arg2: memref<10000x128xf32, #tpu.memory_space<hbm>>, %arg3: memref<160x1x2048xi32, #tpu.memory_space<hbm>>, %arg4: memref<2560x1x128xi32, #tpu.memory_space<hbm>>, %arg5: memref<10008x128xf32, #tpu.memory_space<hbm>>, %arg6: memref<2x10000x128xf32, #tpu.memory_space<hbm>>, %arg7: memref<2x1x2048xi32, #tpu.memory_space<vmem>>, %arg8: memref<2x16x1x128xi32, #tpu.memory_space<vmem>>, %arg9: memref<2x128x128xf32, #tpu.memory_space<vmem>>, %arg10: memref<10008x128xf32, #tpu.memory_space<vmem_shared>>, %arg11: memref<!tpu.dma_semaphore, #tpu.memory_space<semaphore_mem>>, %arg12: memref<2x!tpu.dma_semaphore, #tpu.memory_space<semaphore_mem>>, %arg13: memref<2x!tpu.dma_semaphore, #tpu.memory_space<semaphore_mem>>) attributes {dimension_semantics = [#tpu.dimension_semantics<core_parallel>, #tpu.dimension_semantics<subcore_parallel>], iteration_bounds = array<i64: 2, 16>, scalar_prefetch = 0 : i64, scratch_operands = 7 : i64, tpu.core_type = #tpu.core_type<sc_vector_subcore>, window_params = [{transform_indices = #map}, {transform_indices = #map1}, {transform_indices = #map1}, {transform_indices = #map}, {transform_indices = #map1}]} {
    %mul3A = arith.constant 16 : i32
    %mul3A_0 = arith.muli %arg0, %mul3A : i32
    %add3A = arith.addi %mul3A_0, %arg1 : i32
    %mul3A_1 = arith.constant 80 : i32
    %mul3A_2 = arith.muli %add3A, %mul3A_1 : i32
    %lt3A = arith.constant 15 : i32
    %lt3A_3 = arith.cmpi slt, %arg1, %lt3A : i32
    %convert_element_type3A = arith.extui %lt3A_3 : i1 to i32
    %cond3A = arith.constant 0 : i32
    %cond3A_4 = arith.cmpi ne, %convert_element_type3A, %cond3A : i32
    scf.if %cond3A_4 {
      %mul3A_71 = arith.constant 632 : i32
      %mul3A_72 = arith.muli %arg1, %mul3A_71 : i32
      %mul3A_73 = arith.constant 632 : i32
      %mul3A_74 = arith.muli %arg1, %mul3A_73 : i32
      "tpu.region"() ({
        %run_scoped3A = tpu.sem_alloc : memref<!tpu.dma_semaphore, #tpu.memory_space<semaphore_mem>>
        %dma_start3A = arith.constant 0 : i32
        %dma_start3A_75 = tpu.memref_slice %arg10[%mul3A_74, %dma_start3A] : memref<10008x128xf32, #tpu.memory_space<vmem_shared>> -> memref<632x128xf32, #tpu.memory_space<vmem_shared>>
        %dma_start3A_76 = arith.constant 0 : i32
        %dma_start3A_77 = tpu.memref_slice %arg5[%mul3A_72, %dma_start3A_76] : memref<10008x128xf32, #tpu.memory_space<hbm>> -> memref<632x128xf32, #tpu.memory_space<hbm>>
        tpu.enqueue_dma source(%dma_start3A_77 : memref<632x128xf32, #tpu.memory_space<hbm>>) target(%dma_start3A_75 : memref<632x128xf32, #tpu.memory_space<vmem_shared>>) target_semaphore(%run_scoped3A : memref<!tpu.dma_semaphore, #tpu.memory_space<semaphore_mem>>)
        %dma_wait3A_78 = arith.constant 0 : i32
        %dma_wait3A_79 = tpu.memref_slice %arg10[%mul3A_74, %dma_wait3A_78] : memref<10008x128xf32, #tpu.memory_space<vmem_shared>> -> memref<632x128xf32, #tpu.memory_space<vmem_shared>>
        %dma_wait3A_80 = arith.constant 0 : i32
        %dma_wait3A_81 = tpu.memref_slice %arg5[%mul3A_72, %dma_wait3A_80] : memref<10008x128xf32, #tpu.memory_space<hbm>> -> memref<632x128xf32, #tpu.memory_space<hbm>>
        tpu.wait_dma2 semaphore(%run_scoped3A : memref<!tpu.dma_semaphore, #tpu.memory_space<semaphore_mem>>) src(%dma_wait3A_81 : memref<632x128xf32, #tpu.memory_space<hbm>>) dst(%dma_wait3A_79 : memref<632x128xf32, #tpu.memory_space<vmem_shared>>)
        tpu.yield
      }) : () -> ()
    } else {
    }
    %eq3A = arith.constant 15 : i32
    %eq3A_5 = arith.cmpi eq, %arg1, %eq3A : i32
    %convert_element_type3A_6 = arith.extui %eq3A_5 : i1 to i32
    %cond3A_7 = arith.constant 0 : i32
    %cond3A_8 = arith.cmpi ne, %convert_element_type3A_6, %cond3A_7 : i32
    scf.if %cond3A_8 {
      "tpu.region"() ({
        %run_scoped3A = tpu.sem_alloc : memref<!tpu.dma_semaphore, #tpu.memory_space<semaphore_mem>>
        %dma_start3A = arith.constant 9480 : i32
        %dma_start3A_71 = arith.constant 0 : i32
        %dma_start3A_72 = tpu.memref_slice %arg10[%dma_start3A, %dma_start3A_71] : memref<10008x128xf32, #tpu.memory_space<vmem_shared>> -> memref<528x128xf32, #tpu.memory_space<vmem_shared>>
        %dma_start3A_73 = arith.constant 9480 : i32
        %dma_start3A_74 = arith.constant 0 : i32
        %dma_start3A_75 = tpu.memref_slice %arg5[%dma_start3A_73, %dma_start3A_74] : memref<10008x128xf32, #tpu.memory_space<hbm>> -> memref<528x128xf32, #tpu.memory_space<hbm>>
        tpu.enqueue_dma source(%dma_start3A_75 : memref<528x128xf32, #tpu.memory_space<hbm>>) target(%dma_start3A_72 : memref<528x128xf32, #tpu.memory_space<vmem_shared>>) target_semaphore(%run_scoped3A : memref<!tpu.dma_semaphore, #tpu.memory_space<semaphore_mem>>)
        %dma_wait3A_76 = arith.constant 9480 : i32
        %dma_wait3A_77 = arith.constant 0 : i32
        %dma_wait3A_78 = tpu.memref_slice %arg10[%dma_wait3A_76, %dma_wait3A_77] : memref<10008x128xf32, #tpu.memory_space<vmem_shared>> -> memref<528x128xf32, #tpu.memory_space<vmem_shared>>
        %dma_wait3A_79 = arith.constant 9480 : i32
        %dma_wait3A_80 = arith.constant 0 : i32
        %dma_wait3A_81 = tpu.memref_slice %arg5[%dma_wait3A_79, %dma_wait3A_80] : memref<10008x128xf32, #tpu.memory_space<hbm>> -> memref<528x128xf32, #tpu.memory_space<hbm>>
        tpu.wait_dma2 semaphore(%run_scoped3A : memref<!tpu.dma_semaphore, #tpu.memory_space<semaphore_mem>>) src(%dma_wait3A_81 : memref<528x128xf32, #tpu.memory_space<hbm>>) dst(%dma_wait3A_78 : memref<528x128xf32, #tpu.memory_space<vmem_shared>>)
        tpu.yield
      }) : () -> ()
    } else {
    }
    %barrier3A = arith.constant 0 : index
    tpu.barrier barrier_id(%barrier3A)
    %scan3A = arith.constant 0 : i32
    %scan3A_9 = arith.constant 81 : i32
    %scan3A_10 = arith.addi %scan3A, %scan3A_9 : i32
    %scan3A_11 = arith.constant 1 : i32
    scf.for %scan3A_71 = %scan3A to %scan3A_10 step %scan3A_11  : i32 {
      %mul3A_72 = arith.constant 1 : i32
      %mul3A_73 = arith.muli %scan3A_71, %mul3A_72 : i32
      %add3A_74 = arith.constant 0 : i32
      %add3A_75 = arith.addi %add3A_74, %mul3A_73 : i32
      %rem3A_76 = arith.constant 16 : i32
      %rem3A_77 = arith.remsi %add3A_75, %rem3A_76 : i32
      %eq3A_78 = arith.constant 0 : i32
      %eq3A_79 = arith.cmpi eq, %rem3A_77, %eq3A_78 : i32
      %lt3A_80 = arith.constant 80 : i32
      %lt3A_81 = arith.cmpi slt, %add3A_75, %lt3A_80 : i32
      %and3A = arith.andi %eq3A_79, %lt3A_81 : i1
      %convert_element_type3A_82 = arith.extui %and3A : i1 to i32
      %cond3A_83 = arith.constant 0 : i32
      %cond3A_84 = arith.cmpi ne, %convert_element_type3A_82, %cond3A_83 : i32
      scf.if %cond3A_84 {
        %div3A_94 = arith.constant 16 : i32
        %div3A_95 = arith.divsi %add3A_75, %div3A_94 : i32
        %rem3A_96 = arith.constant 2 : i32
        %rem3A_97 = arith.remsi %div3A_95, %rem3A_96 : i32
        %add3A_98 = arith.addi %mul3A_2, %add3A_75 : i32
        %div3A_99 = arith.constant 16 : i32
        %div3A_100 = arith.divsi %add3A_98, %div3A_99 : i32
        %dma_start3A = arith.constant 0 : i32
        %dma_start3A_101 = arith.constant 0 : i32
        %dma_start3A_102 = tpu.memref_slice %arg7[%rem3A_97, %dma_start3A, %dma_start3A_101] : memref<2x1x2048xi32, #tpu.memory_space<vmem>> -> memref<1x1x2048xi32, #tpu.memory_space<vmem>>
        %dma_start3A_103 = tpu.memref_squeeze %dma_start3A_102 : memref<1x1x2048xi32, #tpu.memory_space<vmem>> -> memref<1x2048xi32, #tpu.memory_space<vmem>>
        %dma_start3A_104 = arith.constant 0 : i32
        %dma_start3A_105 = arith.constant 0 : i32
        %dma_start3A_106 = tpu.memref_slice %arg3[%div3A_100, %dma_start3A_104, %dma_start3A_105] : memref<160x1x2048xi32, #tpu.memory_space<hbm>> -> memref<1x1x2048xi32, #tpu.memory_space<hbm>>
        %dma_start3A_107 = tpu.memref_squeeze %dma_start3A_106 : memref<1x1x2048xi32, #tpu.memory_space<hbm>> -> memref<1x2048xi32, #tpu.memory_space<hbm>>
        %dma_start3A_108 = arith.constant 0 : i32
        %dma_start3A_109 = arith.constant 0 : i32
        %dma_start3A_110 = tpu.memref_slice %arg7[%rem3A_97, %dma_start3A_108, %dma_start3A_109] : memref<2x1x2048xi32, #tpu.memory_space<vmem>> -> memref<1x1x2048xi32, #tpu.memory_space<vmem>>
        %dma_start3A_111 = tpu.memref_squeeze %dma_start3A_110 : memref<1x1x2048xi32, #tpu.memory_space<vmem>> -> memref<1x2048xi32, #tpu.memory_space<vmem>>
        %dma_start3A_112 = arith.constant 0 : i32
        %dma_start3A_113 = arith.constant 0 : i32
        %dma_start3A_114 = tpu.memref_slice %arg3[%div3A_100, %dma_start3A_112, %dma_start3A_113] : memref<160x1x2048xi32, #tpu.memory_space<hbm>> -> memref<1x1x2048xi32, #tpu.memory_space<hbm>>
        %dma_start3A_115 = tpu.memref_squeeze %dma_start3A_114 : memref<1x1x2048xi32, #tpu.memory_space<hbm>> -> memref<1x2048xi32, #tpu.memory_space<hbm>>
        tpu.enqueue_dma source(%dma_start3A_115 : memref<1x2048xi32, #tpu.memory_space<hbm>>) target(%dma_start3A_111 : memref<1x2048xi32, #tpu.memory_space<vmem>>) target_semaphore(%arg11 : memref<!tpu.dma_semaphore, #tpu.memory_space<semaphore_mem>>)
        %dma_wait3A_116 = arith.constant 0 : i32
        %dma_wait3A_117 = arith.constant 0 : i32
        %dma_wait3A_118 = tpu.memref_slice %arg7[%rem3A_97, %dma_wait3A_116, %dma_wait3A_117] : memref<2x1x2048xi32, #tpu.memory_space<vmem>> -> memref<1x1x2048xi32, #tpu.memory_space<vmem>>
        %dma_wait3A_119 = tpu.memref_squeeze %dma_wait3A_118 : memref<1x1x2048xi32, #tpu.memory_space<vmem>> -> memref<1x2048xi32, #tpu.memory_space<vmem>>
        %dma_wait3A_120 = arith.constant 0 : i32
        %dma_wait3A_121 = arith.constant 0 : i32
        %dma_wait3A_122 = tpu.memref_slice %arg3[%div3A_100, %dma_wait3A_120, %dma_wait3A_121] : memref<160x1x2048xi32, #tpu.memory_space<hbm>> -> memref<1x1x2048xi32, #tpu.memory_space<hbm>>
        %dma_wait3A_123 = tpu.memref_squeeze %dma_wait3A_122 : memref<1x1x2048xi32, #tpu.memory_space<hbm>> -> memref<1x2048xi32, #tpu.memory_space<hbm>>
        %dma_wait3A_124 = arith.constant 0 : i32
        %dma_wait3A_125 = arith.constant 0 : i32
        %dma_wait3A_126 = tpu.memref_slice %arg7[%rem3A_97, %dma_wait3A_124, %dma_wait3A_125] : memref<2x1x2048xi32, #tpu.memory_space<vmem>> -> memref<1x1x2048xi32, #tpu.memory_space<vmem>>
        %dma_wait3A_127 = tpu.memref_squeeze %dma_wait3A_126 : memref<1x1x2048xi32, #tpu.memory_space<vmem>> -> memref<1x2048xi32, #tpu.memory_space<vmem>>
        %dma_wait3A_128 = arith.constant 0 : i32
        %dma_wait3A_129 = arith.constant 0 : i32
        %dma_wait3A_130 = tpu.memref_slice %arg3[%div3A_100, %dma_wait3A_128, %dma_wait3A_129] : memref<160x1x2048xi32, #tpu.memory_space<hbm>> -> memref<1x1x2048xi32, #tpu.memory_space<hbm>>
        %dma_wait3A_131 = tpu.memref_squeeze %dma_wait3A_130 : memref<1x1x2048xi32, #tpu.memory_space<hbm>> -> memref<1x2048xi32, #tpu.memory_space<hbm>>
        tpu.wait_dma2 semaphore(%arg11 : memref<!tpu.dma_semaphore, #tpu.memory_space<semaphore_mem>>) src(%dma_wait3A_131 : memref<1x2048xi32, #tpu.memory_space<hbm>>) dst(%dma_wait3A_127 : memref<1x2048xi32, #tpu.memory_space<vmem>>)
        %dma_start3A_132 = arith.constant 0 : i32
        %dma_start3A_133 = arith.constant 0 : i32
        %dma_start3A_134 = arith.constant 0 : i32
        %dma_start3A_135 = tpu.memref_slice %arg8[%rem3A_97, %dma_start3A_132, %dma_start3A_133, %dma_start3A_134] : memref<2x16x1x128xi32, #tpu.memory_space<vmem>> -> memref<1x16x1x128xi32, #tpu.memory_space<vmem>>
        %dma_start3A_136 = tpu.memref_squeeze %dma_start3A_135 : memref<1x16x1x128xi32, #tpu.memory_space<vmem>> -> memref<16x1x128xi32, #tpu.memory_space<vmem>>
        %dma_start3A_137 = arith.constant 0 : i32
        %dma_start3A_138 = arith.constant 0 : i32
        %dma_start3A_139 = tpu.memref_slice %arg4[%add3A_98, %dma_start3A_137, %dma_start3A_138] : memref<2560x1x128xi32, #tpu.memory_space<hbm>> -> memref<16x1x128xi32, #tpu.memory_space<hbm>>
        %dma_start3A_140 = arith.constant 0 : i32
        %dma_start3A_141 = arith.constant 0 : i32
        %dma_start3A_142 = arith.constant 0 : i32
        %dma_start3A_143 = tpu.memref_slice %arg8[%rem3A_97, %dma_start3A_140, %dma_start3A_141, %dma_start3A_142] : memref<2x16x1x128xi32, #tpu.memory_space<vmem>> -> memref<1x16x1x128xi32, #tpu.memory_space<vmem>>
        %dma_start3A_144 = tpu.memref_squeeze %dma_start3A_143 : memref<1x16x1x128xi32, #tpu.memory_space<vmem>> -> memref<16x1x128xi32, #tpu.memory_space<vmem>>
        %dma_start3A_145 = arith.constant 0 : i32
        %dma_start3A_146 = arith.constant 0 : i32
        %dma_start3A_147 = tpu.memref_slice %arg4[%add3A_98, %dma_start3A_145, %dma_start3A_146] : memref<2560x1x128xi32, #tpu.memory_space<hbm>> -> memref<16x1x128xi32, #tpu.memory_space<hbm>>
        tpu.enqueue_dma source(%dma_start3A_147 : memref<16x1x128xi32, #tpu.memory_space<hbm>>) target(%dma_start3A_144 : memref<16x1x128xi32, #tpu.memory_space<vmem>>) target_semaphore(%arg11 : memref<!tpu.dma_semaphore, #tpu.memory_space<semaphore_mem>>)
        %dma_wait3A_148 = arith.constant 0 : i32
        %dma_wait3A_149 = arith.constant 0 : i32
        %dma_wait3A_150 = arith.constant 0 : i32
        %dma_wait3A_151 = tpu.memref_slice %arg8[%rem3A_97, %dma_wait3A_148, %dma_wait3A_149, %dma_wait3A_150] : memref<2x16x1x128xi32, #tpu.memory_space<vmem>> -> memref<1x16x1x128xi32, #tpu.memory_space<vmem>>
        %dma_wait3A_152 = tpu.memref_squeeze %dma_wait3A_151 : memref<1x16x1x128xi32, #tpu.memory_space<vmem>> -> memref<16x1x128xi32, #tpu.memory_space<vmem>>
        %dma_wait3A_153 = arith.constant 0 : i32
        %dma_wait3A_154 = arith.constant 0 : i32
        %dma_wait3A_155 = tpu.memref_slice %arg4[%add3A_98, %dma_wait3A_153, %dma_wait3A_154] : memref<2560x1x128xi32, #tpu.memory_space<hbm>> -> memref<16x1x128xi32, #tpu.memory_space<hbm>>
        %dma_wait3A_156 = arith.constant 0 : i32
        %dma_wait3A_157 = arith.constant 0 : i32
        %dma_wait3A_158 = arith.constant 0 : i32
        %dma_wait3A_159 = tpu.memref_slice %arg8[%rem3A_97, %dma_wait3A_156, %dma_wait3A_157, %dma_wait3A_158] : memref<2x16x1x128xi32, #tpu.memory_space<vmem>> -> memref<1x16x1x128xi32, #tpu.memory_space<vmem>>
        %dma_wait3A_160 = tpu.memref_squeeze %dma_wait3A_159 : memref<1x16x1x128xi32, #tpu.memory_space<vmem>> -> memref<16x1x128xi32, #tpu.memory_space<vmem>>
        %dma_wait3A_161 = arith.constant 0 : i32
        %dma_wait3A_162 = arith.constant 0 : i32
        %dma_wait3A_163 = tpu.memref_slice %arg4[%add3A_98, %dma_wait3A_161, %dma_wait3A_162] : memref<2560x1x128xi32, #tpu.memory_space<hbm>> -> memref<16x1x128xi32, #tpu.memory_space<hbm>>
        tpu.wait_dma2 semaphore(%arg11 : memref<!tpu.dma_semaphore, #tpu.memory_space<semaphore_mem>>) src(%dma_wait3A_163 : memref<16x1x128xi32, #tpu.memory_space<hbm>>) dst(%dma_wait3A_160 : memref<16x1x128xi32, #tpu.memory_space<vmem>>)
      } else {
      }
      %lt3A_85 = arith.constant 80 : i32
      %lt3A_86 = arith.cmpi slt, %add3A_75, %lt3A_85 : i32
      %convert_element_type3A_87 = arith.extui %lt3A_86 : i1 to i32
      %cond3A_88 = arith.constant 0 : i32
      %cond3A_89 = arith.cmpi ne, %convert_element_type3A_87, %cond3A_88 : i32
      scf.if %cond3A_89 {
        %ge3A_94 = arith.constant 2 : i32
        %ge3A_95 = arith.cmpi sge, %add3A_75, %ge3A_94 : i32
        %convert_element_type3A_96 = arith.extui %ge3A_95 : i1 to i32
        %cond3A_97 = arith.constant 0 : i32
        %cond3A_98 = arith.cmpi ne, %convert_element_type3A_96, %cond3A_97 : i32
        scf.if %cond3A_98 {
          %sub3A = arith.constant 2 : i32
          %sub3A_120 = arith.subi %add3A_75, %sub3A : i32
          %rem3A_121 = arith.constant 2 : i32
          %rem3A_122 = arith.remsi %sub3A_120, %rem3A_121 : i32
          %div3A_123 = arith.constant 16 : i32
          %div3A_124 = arith.divsi %sub3A_120, %div3A_123 : i32
          %rem3A_125 = arith.constant 2 : i32
          %rem3A_126 = arith.remsi %div3A_124, %rem3A_125 : i32
          %rem3A_127 = arith.constant 16 : i32
          %rem3A_128 = arith.remsi %sub3A_120, %rem3A_127 : i32
          %dma_wait3A_129 = arith.constant 0 : i32
          %dma_wait3A_130 = arith.constant 0 : i32
          %dma_wait3A_131 = arith.constant 0 : i32
          %dma_wait3A_132 = tpu.memref_slice %arg9[%rem3A_122, %dma_wait3A_130, %dma_wait3A_131] : memref<2x128x128xf32, #tpu.memory_space<vmem>> -> memref<1x128x128xf32, #tpu.memory_space<vmem>>
          %dma_wait3A_133 = tpu.memref_squeeze %dma_wait3A_132 : memref<1x128x128xf32, #tpu.memory_space<vmem>> -> memref<128x128xf32, #tpu.memory_space<vmem>>
          %dma_wait3A_134 = arith.constant 0 : i32
          %dma_wait3A_135 = tpu.memref_slice %arg8[%rem3A_126, %rem3A_128, %dma_wait3A_129, %dma_wait3A_134] : memref<2x16x1x128xi32, #tpu.memory_space<vmem>> -> memref<1x1x1x128xi32, #tpu.memory_space<vmem>>
          %dma_wait3A_136 = tpu.memref_squeeze %dma_wait3A_135 : memref<1x1x1x128xi32, #tpu.memory_space<vmem>> -> memref<128xi32, #tpu.memory_space<vmem>>
          %dma_wait3A_137 = arith.constant 0 : i32
          %dma_wait3A_138 = arith.constant 0 : i32
          %dma_wait3A_139 = tpu.memref_slice %arg10[%dma_wait3A_137, %dma_wait3A_138] : memref<10008x128xf32, #tpu.memory_space<vmem_shared>> -> memref<10008x128xf32, #tpu.memory_space<vmem_shared>>
          %dma_wait3A_140 = tpu.memref_slice %arg13[%rem3A_122] : memref<2x!tpu.dma_semaphore, #tpu.memory_space<semaphore_mem>> -> memref<1x!tpu.dma_semaphore, #tpu.memory_space<semaphore_mem>>
          %dma_wait3A_141 = tpu.memref_squeeze %dma_wait3A_140 : memref<1x!tpu.dma_semaphore, #tpu.memory_space<semaphore_mem>> -> memref<!tpu.dma_semaphore, #tpu.memory_space<semaphore_mem>>
          tpu.wait_indirect_dma semaphore(%dma_wait3A_141 : memref<!tpu.dma_semaphore, #tpu.memory_space<semaphore_mem>>) src(%dma_wait3A_133 : memref<128x128xf32, #tpu.memory_space<vmem>>) dst(%dma_wait3A_139 : memref<10008x128xf32, #tpu.memory_space<vmem_shared>>)
        } else {
        }
        %rem3A_99 = arith.constant 2 : i32
        %rem3A_100 = arith.remsi %add3A_75, %rem3A_99 : i32
        %div3A_101 = arith.constant 16 : i32
        %div3A_102 = arith.divsi %add3A_75, %div3A_101 : i32
        %rem3A_103 = arith.constant 2 : i32
        %rem3A_104 = arith.remsi %div3A_102, %rem3A_103 : i32
        %rem3A_105 = arith.constant 16 : i32
        %rem3A_106 = arith.remsi %add3A_75, %rem3A_105 : i32
        %mul3A_107 = arith.constant 128 : i32
        %mul3A_108 = arith.muli %rem3A_106, %mul3A_107 : i32
        %dma_start3A = arith.constant 0 : i32
        %dma_start3A_109 = arith.constant 0 : i32
        %dma_start3A_110 = arith.constant 0 : i32
        %dma_start3A_111 = tpu.memref_slice %arg9[%rem3A_100, %dma_start3A_109, %dma_start3A_110] : memref<2x128x128xf32, #tpu.memory_space<vmem>> -> memref<1x128x128xf32, #tpu.memory_space<vmem>>
        %dma_start3A_112 = tpu.memref_squeeze %dma_start3A_111 : memref<1x128x128xf32, #tpu.memory_space<vmem>> -> memref<128x128xf32, #tpu.memory_space<vmem>>
        %dma_start3A_113 = tpu.memref_slice %arg7[%rem3A_104, %dma_start3A, %mul3A_108] : memref<2x1x2048xi32, #tpu.memory_space<vmem>> -> memref<1x1x128xi32, #tpu.memory_space<vmem>>
        %dma_start3A_114 = tpu.memref_squeeze %dma_start3A_113 : memref<1x1x128xi32, #tpu.memory_space<vmem>> -> memref<128xi32, #tpu.memory_space<vmem>>
        %dma_start3A_115 = arith.constant 0 : i32
        %dma_start3A_116 = arith.constant 0 : i32
        %dma_start3A_117 = tpu.memref_slice %arg2[%dma_start3A_115, %dma_start3A_116] : memref<10000x128xf32, #tpu.memory_space<hbm>> -> memref<10000x128xf32, #tpu.memory_space<hbm>>
        %dma_start3A_118 = tpu.memref_slice %arg12[%rem3A_100] : memref<2x!tpu.dma_semaphore, #tpu.memory_space<semaphore_mem>> -> memref<1x!tpu.dma_semaphore, #tpu.memory_space<semaphore_mem>>
        %dma_start3A_119 = tpu.memref_squeeze %dma_start3A_118 : memref<1x!tpu.dma_semaphore, #tpu.memory_space<semaphore_mem>> -> memref<!tpu.dma_semaphore, #tpu.memory_space<semaphore_mem>>
        tpu.enqueue_indirect_dma source(%dma_start3A_117 : memref<10000x128xf32, #tpu.memory_space<hbm>>) target(%dma_start3A_112 : memref<128x128xf32, #tpu.memory_space<vmem>>) offsets(%dma_start3A_114 : memref<128xi32, #tpu.memory_space<vmem>>) semaphore(%dma_start3A_119 : memref<!tpu.dma_semaphore, #tpu.memory_space<semaphore_mem>>)
      } else {
      }
      %ge3A = arith.constant 1 : i32
      %ge3A_90 = arith.cmpi sge, %add3A_75, %ge3A : i32
      %convert_element_type3A_91 = arith.extui %ge3A_90 : i1 to i32
      %cond3A_92 = arith.constant 0 : i32
      %cond3A_93 = arith.cmpi ne, %convert_element_type3A_91, %cond3A_92 : i32
      scf.if %cond3A_93 {
        %sub3A = arith.constant 1 : i32
        %sub3A_94 = arith.subi %add3A_75, %sub3A : i32
        %rem3A_95 = arith.constant 2 : i32
        %rem3A_96 = arith.remsi %sub3A_94, %rem3A_95 : i32
        %div3A_97 = arith.constant 16 : i32
        %div3A_98 = arith.divsi %sub3A_94, %div3A_97 : i32
        %rem3A_99 = arith.constant 2 : i32
        %rem3A_100 = arith.remsi %div3A_98, %rem3A_99 : i32
        %rem3A_101 = arith.constant 16 : i32
        %rem3A_102 = arith.remsi %sub3A_94, %rem3A_101 : i32
        %mul3A_103 = arith.constant 128 : i32
        %mul3A_104 = arith.muli %rem3A_102, %mul3A_103 : i32
        %dma_wait3A_105 = arith.constant 0 : i32
        %dma_wait3A_106 = arith.constant 0 : i32
        %dma_wait3A_107 = arith.constant 0 : i32
        %dma_wait3A_108 = tpu.memref_slice %arg9[%rem3A_96, %dma_wait3A_106, %dma_wait3A_107] : memref<2x128x128xf32, #tpu.memory_space<vmem>> -> memref<1x128x128xf32, #tpu.memory_space<vmem>>
        %dma_wait3A_109 = tpu.memref_squeeze %dma_wait3A_108 : memref<1x128x128xf32, #tpu.memory_space<vmem>> -> memref<128x128xf32, #tpu.memory_space<vmem>>
        %dma_wait3A_110 = tpu.memref_slice %arg7[%rem3A_100, %dma_wait3A_105, %mul3A_104] : memref<2x1x2048xi32, #tpu.memory_space<vmem>> -> memref<1x1x128xi32, #tpu.memory_space<vmem>>
        %dma_wait3A_111 = tpu.memref_squeeze %dma_wait3A_110 : memref<1x1x128xi32, #tpu.memory_space<vmem>> -> memref<128xi32, #tpu.memory_space<vmem>>
        %dma_wait3A_112 = arith.constant 0 : i32
        %dma_wait3A_113 = arith.constant 0 : i32
        %dma_wait3A_114 = tpu.memref_slice %arg2[%dma_wait3A_112, %dma_wait3A_113] : memref<10000x128xf32, #tpu.memory_space<hbm>> -> memref<10000x128xf32, #tpu.memory_space<hbm>>
        %dma_wait3A_115 = tpu.memref_slice %arg12[%rem3A_96] : memref<2x!tpu.dma_semaphore, #tpu.memory_space<semaphore_mem>> -> memref<1x!tpu.dma_semaphore, #tpu.memory_space<semaphore_mem>>
        %dma_wait3A_116 = tpu.memref_squeeze %dma_wait3A_115 : memref<1x!tpu.dma_semaphore, #tpu.memory_space<semaphore_mem>> -> memref<!tpu.dma_semaphore, #tpu.memory_space<semaphore_mem>>
        tpu.wait_indirect_dma semaphore(%dma_wait3A_116 : memref<!tpu.dma_semaphore, #tpu.memory_space<semaphore_mem>>) src(%dma_wait3A_114 : memref<10000x128xf32, #tpu.memory_space<hbm>>) dst(%dma_wait3A_109 : memref<128x128xf32, #tpu.memory_space<vmem>>)
        %rem3A_117 = arith.constant 2 : i32
        %rem3A_118 = arith.remsi %sub3A_94, %rem3A_117 : i32
        %div3A_119 = arith.constant 16 : i32
        %div3A_120 = arith.divsi %sub3A_94, %div3A_119 : i32
        %rem3A_121 = arith.constant 2 : i32
        %rem3A_122 = arith.remsi %div3A_120, %rem3A_121 : i32
        %rem3A_123 = arith.constant 16 : i32
        %rem3A_124 = arith.remsi %sub3A_94, %rem3A_123 : i32
        %dma_start3A = arith.constant 0 : i32
        %dma_start3A_125 = arith.constant 0 : i32
        %dma_start3A_126 = arith.constant 0 : i32
        %dma_start3A_127 = tpu.memref_slice %arg9[%rem3A_118, %dma_start3A_125, %dma_start3A_126] : memref<2x128x128xf32, #tpu.memory_space<vmem>> -> memref<1x128x128xf32, #tpu.memory_space<vmem>>
        %dma_start3A_128 = tpu.memref_squeeze %dma_start3A_127 : memref<1x128x128xf32, #tpu.memory_space<vmem>> -> memref<128x128xf32, #tpu.memory_space<vmem>>
        %dma_start3A_129 = arith.constant 0 : i32
        %dma_start3A_130 = tpu.memref_slice %arg8[%rem3A_122, %rem3A_124, %dma_start3A, %dma_start3A_129] : memref<2x16x1x128xi32, #tpu.memory_space<vmem>> -> memref<1x1x1x128xi32, #tpu.memory_space<vmem>>
        %dma_start3A_131 = tpu.memref_squeeze %dma_start3A_130 : memref<1x1x1x128xi32, #tpu.memory_space<vmem>> -> memref<128xi32, #tpu.memory_space<vmem>>
        %dma_start3A_132 = arith.constant 0 : i32
        %dma_start3A_133 = arith.constant 0 : i32
        %dma_start3A_134 = tpu.memref_slice %arg10[%dma_start3A_132, %dma_start3A_133] : memref<10008x128xf32, #tpu.memory_space<vmem_shared>> -> memref<10008x128xf32, #tpu.memory_space<vmem_shared>>
        %dma_start3A_135 = tpu.memref_slice %arg13[%rem3A_118] : memref<2x!tpu.dma_semaphore, #tpu.memory_space<semaphore_mem>> -> memref<1x!tpu.dma_semaphore, #tpu.memory_space<semaphore_mem>>
        %dma_start3A_136 = tpu.memref_squeeze %dma_start3A_135 : memref<1x!tpu.dma_semaphore, #tpu.memory_space<semaphore_mem>> -> memref<!tpu.dma_semaphore, #tpu.memory_space<semaphore_mem>>
        tpu.enqueue_indirect_dma source(%dma_start3A_128 : memref<128x128xf32, #tpu.memory_space<vmem>>) target(%dma_start3A_134 : memref<10008x128xf32, #tpu.memory_space<vmem_shared>>) offsets(%dma_start3A_131 : memref<128xi32, #tpu.memory_space<vmem>>) semaphore(%dma_start3A_136 : memref<!tpu.dma_semaphore, #tpu.memory_space<semaphore_mem>>) {add = true}
      } else {
      }
    }
    %scan3A_12 = arith.constant 81 : i32
    %rem3A = arith.constant 78 : i32
    %rem3A_13 = arith.constant 2 : i32
    %rem3A_14 = arith.remsi %rem3A, %rem3A_13 : i32
    %div3A = arith.constant 78 : i32
    %div3A_15 = arith.constant 16 : i32
    %div3A_16 = arith.divsi %div3A, %div3A_15 : i32
    %rem3A_17 = arith.constant 2 : i32
    %rem3A_18 = arith.remsi %div3A_16, %rem3A_17 : i32
    %rem3A_19 = arith.constant 78 : i32
    %rem3A_20 = arith.constant 16 : i32
    %rem3A_21 = arith.remsi %rem3A_19, %rem3A_20 : i32
    %dma_wait3A = arith.constant 0 : i32
    %dma_wait3A_22 = arith.constant 0 : i32
    %dma_wait3A_23 = arith.constant 0 : i32
    %dma_wait3A_24 = tpu.memref_slice %arg9[%rem3A_14, %dma_wait3A_22, %dma_wait3A_23] : memref<2x128x128xf32, #tpu.memory_space<vmem>> -> memref<1x128x128xf32, #tpu.memory_space<vmem>>
    %dma_wait3A_25 = tpu.memref_squeeze %dma_wait3A_24 : memref<1x128x128xf32, #tpu.memory_space<vmem>> -> memref<128x128xf32, #tpu.memory_space<vmem>>
    %dma_wait3A_26 = arith.constant 0 : i32
    %dma_wait3A_27 = tpu.memref_slice %arg8[%rem3A_18, %rem3A_21, %dma_wait3A, %dma_wait3A_26] : memref<2x16x1x128xi32, #tpu.memory_space<vmem>> -> memref<1x1x1x128xi32, #tpu.memory_space<vmem>>
    %dma_wait3A_28 = tpu.memref_squeeze %dma_wait3A_27 : memref<1x1x1x128xi32, #tpu.memory_space<vmem>> -> memref<128xi32, #tpu.memory_space<vmem>>
    %dma_wait3A_29 = arith.constant 0 : i32
    %dma_wait3A_30 = arith.constant 0 : i32
    %dma_wait3A_31 = tpu.memref_slice %arg10[%dma_wait3A_29, %dma_wait3A_30] : memref<10008x128xf32, #tpu.memory_space<vmem_shared>> -> memref<10008x128xf32, #tpu.memory_space<vmem_shared>>
    %dma_wait3A_32 = tpu.memref_slice %arg13[%rem3A_14] : memref<2x!tpu.dma_semaphore, #tpu.memory_space<semaphore_mem>> -> memref<1x!tpu.dma_semaphore, #tpu.memory_space<semaphore_mem>>
    %dma_wait3A_33 = tpu.memref_squeeze %dma_wait3A_32 : memref<1x!tpu.dma_semaphore, #tpu.memory_space<semaphore_mem>> -> memref<!tpu.dma_semaphore, #tpu.memory_space<semaphore_mem>>
    tpu.wait_indirect_dma semaphore(%dma_wait3A_33 : memref<!tpu.dma_semaphore, #tpu.memory_space<semaphore_mem>>) src(%dma_wait3A_25 : memref<128x128xf32, #tpu.memory_space<vmem>>) dst(%dma_wait3A_31 : memref<10008x128xf32, #tpu.memory_space<vmem_shared>>)
    %rem3A_34 = arith.constant 79 : i32
    %rem3A_35 = arith.constant 2 : i32
    %rem3A_36 = arith.remsi %rem3A_34, %rem3A_35 : i32
    %div3A_37 = arith.constant 79 : i32
    %div3A_38 = arith.constant 16 : i32
    %div3A_39 = arith.divsi %div3A_37, %div3A_38 : i32
    %rem3A_40 = arith.constant 2 : i32
    %rem3A_41 = arith.remsi %div3A_39, %rem3A_40 : i32
    %rem3A_42 = arith.constant 79 : i32
    %rem3A_43 = arith.constant 16 : i32
    %rem3A_44 = arith.remsi %rem3A_42, %rem3A_43 : i32
    %dma_wait3A_45 = arith.constant 0 : i32
    %dma_wait3A_46 = arith.constant 0 : i32
    %dma_wait3A_47 = arith.constant 0 : i32
    %dma_wait3A_48 = tpu.memref_slice %arg9[%rem3A_36, %dma_wait3A_46, %dma_wait3A_47] : memref<2x128x128xf32, #tpu.memory_space<vmem>> -> memref<1x128x128xf32, #tpu.memory_space<vmem>>
    %dma_wait3A_49 = tpu.memref_squeeze %dma_wait3A_48 : memref<1x128x128xf32, #tpu.memory_space<vmem>> -> memref<128x128xf32, #tpu.memory_space<vmem>>
    %dma_wait3A_50 = arith.constant 0 : i32
    %dma_wait3A_51 = tpu.memref_slice %arg8[%rem3A_41, %rem3A_44, %dma_wait3A_45, %dma_wait3A_50] : memref<2x16x1x128xi32, #tpu.memory_space<vmem>> -> memref<1x1x1x128xi32, #tpu.memory_space<vmem>>
    %dma_wait3A_52 = tpu.memref_squeeze %dma_wait3A_51 : memref<1x1x1x128xi32, #tpu.memory_space<vmem>> -> memref<128xi32, #tpu.memory_space<vmem>>
    %dma_wait3A_53 = arith.constant 0 : i32
    %dma_wait3A_54 = arith.constant 0 : i32
    %dma_wait3A_55 = tpu.memref_slice %arg10[%dma_wait3A_53, %dma_wait3A_54] : memref<10008x128xf32, #tpu.memory_space<vmem_shared>> -> memref<10008x128xf32, #tpu.memory_space<vmem_shared>>
    %dma_wait3A_56 = tpu.memref_slice %arg13[%rem3A_36] : memref<2x!tpu.dma_semaphore, #tpu.memory_space<semaphore_mem>> -> memref<1x!tpu.dma_semaphore, #tpu.memory_space<semaphore_mem>>
    %dma_wait3A_57 = tpu.memref_squeeze %dma_wait3A_56 : memref<1x!tpu.dma_semaphore, #tpu.memory_space<semaphore_mem>> -> memref<!tpu.dma_semaphore, #tpu.memory_space<semaphore_mem>>
    tpu.wait_indirect_dma semaphore(%dma_wait3A_57 : memref<!tpu.dma_semaphore, #tpu.memory_space<semaphore_mem>>) src(%dma_wait3A_49 : memref<128x128xf32, #tpu.memory_space<vmem>>) dst(%dma_wait3A_55 : memref<10008x128xf32, #tpu.memory_space<vmem_shared>>)
    %barrier3A_58 = arith.constant 0 : index
    tpu.barrier barrier_id(%barrier3A_58)
    %mul3A_59 = arith.constant 632 : i32
    %mul3A_60 = arith.muli %arg1, %mul3A_59 : i32
    %lt3A_61 = arith.constant 15 : i32
    %lt3A_62 = arith.cmpi slt, %arg1, %lt3A_61 : i32
    %convert_element_type3A_63 = arith.extui %lt3A_62 : i1 to i32
    %cond3A_64 = arith.constant 0 : i32
    %cond3A_65 = arith.cmpi ne, %convert_element_type3A_63, %cond3A_64 : i32
    scf.if %cond3A_65 {
      "tpu.region"() ({
        %run_scoped3A = tpu.sem_alloc : memref<!tpu.dma_semaphore, #tpu.memory_space<semaphore_mem>>
        %dma_start3A = arith.constant 0 : i32
        %dma_start3A_71 = arith.constant 0 : i32
        %dma_start3A_72 = tpu.memref_slice %arg6[%arg0, %dma_start3A, %dma_start3A_71] : memref<2x10000x128xf32, #tpu.memory_space<hbm>> -> memref<1x10000x128xf32, #tpu.memory_space<hbm>>
        %dma_start3A_73 = tpu.memref_squeeze %dma_start3A_72 : memref<1x10000x128xf32, #tpu.memory_space<hbm>> -> memref<10000x128xf32, #tpu.memory_space<hbm>>
        %dma_start3A_74 = arith.constant 0 : i32
        %dma_start3A_75 = tpu.memref_slice %dma_start3A_73[%mul3A_60, %dma_start3A_74] : memref<10000x128xf32, #tpu.memory_space<hbm>> -> memref<632x128xf32, #tpu.memory_space<hbm>>
        %dma_start3A_76 = arith.constant 0 : i32
        %dma_start3A_77 = tpu.memref_slice %arg10[%mul3A_60, %dma_start3A_76] : memref<10008x128xf32, #tpu.memory_space<vmem_shared>> -> memref<632x128xf32, #tpu.memory_space<vmem_shared>>
        tpu.enqueue_dma source(%dma_start3A_77 : memref<632x128xf32, #tpu.memory_space<vmem_shared>>) target(%dma_start3A_75 : memref<632x128xf32, #tpu.memory_space<hbm>>) target_semaphore(%run_scoped3A : memref<!tpu.dma_semaphore, #tpu.memory_space<semaphore_mem>>)
        %dma_wait3A_78 = arith.constant 0 : i32
        %dma_wait3A_79 = arith.constant 0 : i32
        %dma_wait3A_80 = tpu.memref_slice %arg6[%arg0, %dma_wait3A_78, %dma_wait3A_79] : memref<2x10000x128xf32, #tpu.memory_space<hbm>> -> memref<1x10000x128xf32, #tpu.memory_space<hbm>>
        %dma_wait3A_81 = tpu.memref_squeeze %dma_wait3A_80 : memref<1x10000x128xf32, #tpu.memory_space<hbm>> -> memref<10000x128xf32, #tpu.memory_space<hbm>>
        %dma_wait3A_82 = arith.constant 0 : i32
        %dma_wait3A_83 = tpu.memref_slice %dma_wait3A_81[%mul3A_60, %dma_wait3A_82] : memref<10000x128xf32, #tpu.memory_space<hbm>> -> memref<632x128xf32, #tpu.memory_space<hbm>>
        %dma_wait3A_84 = arith.constant 0 : i32
        %dma_wait3A_85 = tpu.memref_slice %arg10[%mul3A_60, %dma_wait3A_84] : memref<10008x128xf32, #tpu.memory_space<vmem_shared>> -> memref<632x128xf32, #tpu.memory_space<vmem_shared>>
        tpu.wait_dma2 semaphore(%run_scoped3A : memref<!tpu.dma_semaphore, #tpu.memory_space<semaphore_mem>>) src(%dma_wait3A_85 : memref<632x128xf32, #tpu.memory_space<vmem_shared>>) dst(%dma_wait3A_83 : memref<632x128xf32, #tpu.memory_space<hbm>>)
        tpu.yield
      }) : () -> ()
    } else {
    }
    %eq3A_66 = arith.constant 15 : i32
    %eq3A_67 = arith.cmpi eq, %arg1, %eq3A_66 : i32
    %convert_element_type3A_68 = arith.extui %eq3A_67 : i1 to i32
    %cond3A_69 = arith.constant 0 : i32
    %cond3A_70 = arith.cmpi ne, %convert_element_type3A_68, %cond3A_69 : i32
    scf.if %cond3A_70 {
      "tpu.region"() ({
        %run_scoped3A = tpu.sem_alloc : memref<!tpu.dma_semaphore, #tpu.memory_space<semaphore_mem>>
        %dma_start3A = arith.constant 0 : i32
        %dma_start3A_71 = arith.constant 0 : i32
        %dma_start3A_72 = tpu.memref_slice %arg6[%arg0, %dma_start3A, %dma_start3A_71] : memref<2x10000x128xf32, #tpu.memory_space<hbm>> -> memref<1x10000x128xf32, #tpu.memory_space<hbm>>
        %dma_start3A_73 = tpu.memref_squeeze %dma_start3A_72 : memref<1x10000x128xf32, #tpu.memory_space<hbm>> -> memref<10000x128xf32, #tpu.memory_space<hbm>>
        %dma_start3A_74 = arith.constant 9480 : i32
        %dma_start3A_75 = arith.constant 0 : i32
        %dma_start3A_76 = tpu.memref_slice %dma_start3A_73[%dma_start3A_74, %dma_start3A_75] : memref<10000x128xf32, #tpu.memory_space<hbm>> -> memref<520x128xf32, #tpu.memory_space<hbm>>
        %dma_start3A_77 = arith.constant 9480 : i32
        %dma_start3A_78 = arith.constant 0 : i32
        %dma_start3A_79 = tpu.memref_slice %arg10[%dma_start3A_77, %dma_start3A_78] : memref<10008x128xf32, #tpu.memory_space<vmem_shared>> -> memref<520x128xf32, #tpu.memory_space<vmem_shared>>
        tpu.enqueue_dma source(%dma_start3A_79 : memref<520x128xf32, #tpu.memory_space<vmem_shared>>) target(%dma_start3A_76 : memref<520x128xf32, #tpu.memory_space<hbm>>) target_semaphore(%run_scoped3A : memref<!tpu.dma_semaphore, #tpu.memory_space<semaphore_mem>>)
        %dma_wait3A_80 = arith.constant 0 : i32
        %dma_wait3A_81 = arith.constant 0 : i32
        %dma_wait3A_82 = tpu.memref_slice %arg6[%arg0, %dma_wait3A_80, %dma_wait3A_81] : memref<2x10000x128xf32, #tpu.memory_space<hbm>> -> memref<1x10000x128xf32, #tpu.memory_space<hbm>>
        %dma_wait3A_83 = tpu.memref_squeeze %dma_wait3A_82 : memref<1x10000x128xf32, #tpu.memory_space<hbm>> -> memref<10000x128xf32, #tpu.memory_space<hbm>>
        %dma_wait3A_84 = arith.constant 9480 : i32
        %dma_wait3A_85 = arith.constant 0 : i32
        %dma_wait3A_86 = tpu.memref_slice %dma_wait3A_83[%dma_wait3A_84, %dma_wait3A_85] : memref<10000x128xf32, #tpu.memory_space<hbm>> -> memref<520x128xf32, #tpu.memory_space<hbm>>
        %dma_wait3A_87 = arith.constant 9480 : i32
        %dma_wait3A_88 = arith.constant 0 : i32
        %dma_wait3A_89 = tpu.memref_slice %arg10[%dma_wait3A_87, %dma_wait3A_88] : memref<10008x128xf32, #tpu.memory_space<vmem_shared>> -> memref<520x128xf32, #tpu.memory_space<vmem_shared>>
        tpu.wait_dma2 semaphore(%run_scoped3A : memref<!tpu.dma_semaphore, #tpu.memory_space<semaphore_mem>>) src(%dma_wait3A_89 : memref<520x128xf32, #tpu.memory_space<vmem_shared>>) dst(%dma_wait3A_86 : memref<520x128xf32, #tpu.memory_space<hbm>>)
        tpu.yield
      }) : () -> ()
    } else {
    }
    return
  }
}

module attributes {stable_mosaic.version = 14 : i64} {
  func.func @body(%arg0: i32, %arg1: memref<1000x128xf32, #tpu.memory_space<vmem>>, %arg2: memref<128x128xf32, #tpu.memory_space<vmem>>, %arg3: memref<1000x128xf32, #tpu.memory_space<vmem>>) attributes {dimension_semantics = [#tpu.dimension_semantics<arbitrary>], iteration_bounds = array<i64: 10>, scalar_prefetch = 0 : i64, scratch_operands = 0 : i64, tpu.core_type = #tpu.core_type<tc>, window_params = [{transform_indices = @transform_0, window_bounds = array<i64: 1000, 128>}, {pipeline_mode = #tpu.pipeline_mode<synchronous>, transform_indices = @transform_1, window_bounds = array<i64: 128, 128>}, {transform_indices = @transform_2, window_bounds = array<i64: 1000, 128>}]} {
    %get3A = arith.constant 0 : index
    %get3A_0 = arith.constant 0 : index
    %get3A_1 = vector.load %arg1[%get3A, %get3A_0] : memref<1000x128xf32, #tpu.memory_space<vmem>>, vector<1000x128xf32>
    %get3A_2 = arith.constant 0 : index
    %get3A_3 = arith.constant 0 : index
    %get3A_4 = vector.load %arg2[%get3A_2, %get3A_3] : memref<128x128xf32, #tpu.memory_space<vmem>>, vector<128x128xf32>
    %dot_general3A = arith.constant dense<0.000000e+00> : vector<1000x128xf32>
    %dot_general3A_5 = tpu.matmul %get3A_1, %get3A_4, %dot_general3A {dimension_numbers = #tpu.dot_dimension_numbers<[1], [0], [0], [1], [0, 0, 1, 1], [], []>, transpose_lhs_hint = false} : vector<1000x128xf32>, vector<128x128xf32>, vector<1000x128xf32> -> vector<1000x128xf32>
    %swap3A = arith.constant 0 : index
    %swap3A_6 = arith.constant 0 : index
    %swap3A_7 = vector.load %arg3[%swap3A, %swap3A_6] : memref<1000x128xf32, #tpu.memory_space<vmem>>, vector<1000x128xf32>
    tpu.vector_store %arg3[%swap3A, %swap3A_6], %dot_general3A_5 {strides = array<i32>} : memref<1000x128xf32, #tpu.memory_space<vmem>>, vector<1000x128xf32>,
    return
  }
  func.func @transform_0(%arg0: i32) -> (i32, i32) {
    %c0_i32 = arith.constant 0 : i32
    %c0_i32_0 = arith.constant 0 : i32
    return %arg0, %c0_i32 : i32, i32
  }
  func.func @transform_1(%arg0: i32) -> (i32, i32) {
    %c0_i32 = arith.constant 0 : i32
    %c0_i32_0 = arith.constant 0 : i32
    %c0_i32_1 = arith.constant 0 : i32
    return %c0_i32, %c0_i32_0 : i32, i32
  }
  func.func @transform_2(%arg0: i32) -> (i32, i32) {
    %c0_i32 = arith.constant 0 : i32
    %c0_i32_0 = arith.constant 0 : i32
    return %arg0, %c0_i32 : i32, i32
  }
}

module attributes {stable_mosaic.version = 14 : i64} {
  func.func @body(%arg0: i32, %arg1: memref<1000x128xf32, #tpu.memory_space<vmem>>, %arg2: memref<32x1x1x1000xf32, #tpu.memory_space<vmem>>, %arg3: memref<1000x128xf32, #tpu.memory_space<vmem>>) attributes {dimension_semantics = [#tpu.dimension_semantics<arbitrary>], iteration_bounds = array<i64: 10>, scalar_prefetch = 0 : i64, scratch_operands = 0 : i64, tpu.core_type = #tpu.core_type<tc>, window_params = [{transform_indices = @transform_0, window_bounds = array<i64: 1000, 128>}, {transform_indices = @transform_1, window_bounds = array<i64: 32, 1, 1, 1000>}, {transform_indices = @transform_2, window_bounds = array<i64: 1000, 128>}]} {
    %get3A = arith.constant 0 : index
    %get3A_0 = arith.constant 0 : index
    %get3A_1 = arith.constant 0 : index
    %get3A_2 = arith.constant 0 : index
    %get3A_3 = vector.load %arg2[%get3A, %get3A_0, %get3A_1, %get3A_2] : memref<32x1x1x1000xf32, #tpu.memory_space<vmem>>, vector<32x1x1x1000xf32>
    %reduce_sum3A = arith.constant dense<0.000000e+00> : vector<1000xf32>
    %reduce_sum3A_4 = vector.multi_reduction <add>, %get3A_3, %reduce_sum3A [0, 1, 2] : vector<32x1x1x1000xf32> to vector<1000xf32>
    %max3A = arith.constant 1.000000e+00 : f32
    %max3A_5 = vector.broadcast %max3A : f32 to vector<1000xf32>
    %max3A_6 = arith.maximumf %reduce_sum3A_4, %max3A_5 : vector<1000xf32>
    %rsqrt3A = math.rsqrt %max3A_6 : vector<1000xf32>
    %get3A_7 = arith.constant 0 : index
    %get3A_8 = arith.constant 0 : index
    %get3A_9 = vector.load %arg1[%get3A_7, %get3A_8] : memref<1000x128xf32, #tpu.memory_space<vmem>>, vector<1000x128xf32>
    %broadcast_in_dim3A = vector.shape_cast %rsqrt3A : vector<1000xf32> to vector<1000x1xf32>
    %mul3A = vector.broadcast %broadcast_in_dim3A : vector<1000x1xf32> to vector<1000x128xf32>
    %mul3A_10 = arith.mulf %get3A_9, %mul3A : vector<1000x128xf32>
    %swap3A = arith.constant 0 : index
    %swap3A_11 = arith.constant 0 : index
    %swap3A_12 = vector.load %arg3[%swap3A, %swap3A_11] : memref<1000x128xf32, #tpu.memory_space<vmem>>, vector<1000x128xf32>
    tpu.vector_store %arg3[%swap3A, %swap3A_11], %mul3A_10 {strides = array<i32>} : memref<1000x128xf32, #tpu.memory_space<vmem>>, vector<1000x128xf32>,
    return
  }
  func.func @transform_0(%arg0: i32) -> (i32, i32) {
    %c0_i32 = arith.constant 0 : i32
    %c0_i32_0 = arith.constant 0 : i32
    return %arg0, %c0_i32 : i32, i32
  }
  func.func @transform_1(%arg0: i32) -> (i32, i32, i32, i32) {
    %c0_i32 = arith.constant 0 : i32
    %c0_i32_0 = arith.constant 0 : i32
    %c0_i32_1 = arith.constant 0 : i32
    %c0_i32_2 = arith.constant 0 : i32
    return %c0_i32, %arg0, %c0_i32_0, %c0_i32_1 : i32, i32, i32, i32
  }
  func.func @transform_2(%arg0: i32) -> (i32, i32) {
    %c0_i32 = arith.constant 0 : i32
    %c0_i32_0 = arith.constant 0 : i32
    return %arg0, %c0_i32 : i32, i32
  }
}

module attributes {stable_mosaic.version = 14 : i64} {
  func.func @body(%arg0: i32, %arg1: memref<2x1000x128xf32, #tpu.memory_space<vmem>>, %arg2: memref<32x1x1x1000xf32, #tpu.memory_space<vmem>>, %arg3: memref<128x64xf32, #tpu.memory_space<vmem>>, %arg4: memref<1x64xf32, #tpu.memory_space<vmem>>, %arg5: memref<1000x64xf32, #tpu.memory_space<vmem>>) attributes {dimension_semantics = [#tpu.dimension_semantics<arbitrary>], iteration_bounds = array<i64: 10>, scalar_prefetch = 0 : i64, scratch_operands = 0 : i64, tpu.core_type = #tpu.core_type<tc>, window_params = [{transform_indices = @transform_0, window_bounds = array<i64: 2, 1000, 128>}, {transform_indices = @transform_1, window_bounds = array<i64: 32, 1, 1, 1000>}, {pipeline_mode = #tpu.pipeline_mode<synchronous>, transform_indices = @transform_2, window_bounds = array<i64: 128, 64>}, {pipeline_mode = #tpu.pipeline_mode<synchronous>, transform_indices = @transform_3, window_bounds = array<i64: 1, 64>}, {transform_indices = @transform_4, window_bounds = array<i64: 1000, 64>}]} {
    %get3A = arith.constant 0 : index
    %get3A_0 = arith.constant 0 : index
    %get3A_1 = arith.constant 0 : index
    %get3A_2 = vector.load %arg1[%get3A, %get3A_0, %get3A_1] : memref<2x1000x128xf32, #tpu.memory_space<vmem>>, vector<1x1000x128xf32>
    %get3A_3 = vector.shape_cast %get3A_2 : vector<1x1000x128xf32> to vector<1000x128xf32>
    %get3A_4 = arith.constant 1 : index
    %get3A_5 = arith.constant 0 : index
    %get3A_6 = arith.constant 0 : index
    %get3A_7 = vector.load %arg1[%get3A_4, %get3A_5, %get3A_6] : memref<2x1000x128xf32, #tpu.memory_space<vmem>>, vector<1x1000x128xf32>
    %get3A_8 = vector.shape_cast %get3A_7 : vector<1x1000x128xf32> to vector<1000x128xf32>
    %add3A = arith.addf %get3A_3, %get3A_8 : vector<1000x128xf32>
    %get3A_9 = arith.constant 0 : index
    %get3A_10 = arith.constant 0 : index
    %get3A_11 = arith.constant 0 : index
    %get3A_12 = arith.constant 0 : index
    %get3A_13 = vector.load %arg2[%get3A_9, %get3A_10, %get3A_11, %get3A_12] : memref<32x1x1x1000xf32, #tpu.memory_space<vmem>>, vector<32x1x1x1000xf32>
    %reduce_sum3A = arith.constant dense<0.000000e+00> : vector<1000xf32>
    %reduce_sum3A_14 = vector.multi_reduction <add>, %get3A_13, %reduce_sum3A [0, 1, 2] : vector<32x1x1x1000xf32> to vector<1000xf32>
    %max3A = arith.constant 1.000000e+00 : f32
    %max3A_15 = vector.broadcast %max3A : f32 to vector<1000xf32>
    %max3A_16 = arith.maximumf %reduce_sum3A_14, %max3A_15 : vector<1000xf32>
    %rsqrt3A = math.rsqrt %max3A_16 : vector<1000xf32>
    %get3A_17 = arith.constant 0 : index
    %get3A_18 = arith.constant 0 : index
    %get3A_19 = vector.load %arg3[%get3A_17, %get3A_18] : memref<128x64xf32, #tpu.memory_space<vmem>>, vector<128x64xf32>
    %dot_general3A = arith.constant dense<0.000000e+00> : vector<1000x64xf32>
    %dot_general3A_20 = tpu.matmul %add3A, %get3A_19, %dot_general3A {dimension_numbers = #tpu.dot_dimension_numbers<[1], [0], [0], [1], [0, 0, 1, 1], [], []>, transpose_lhs_hint = false} : vector<1000x128xf32>, vector<128x64xf32>, vector<1000x64xf32> -> vector<1000x64xf32>
    %broadcast_in_dim3A = vector.shape_cast %rsqrt3A : vector<1000xf32> to vector<1000x1xf32>
    %mul3A = vector.broadcast %broadcast_in_dim3A : vector<1000x1xf32> to vector<1000x64xf32>
    %mul3A_21 = arith.mulf %dot_general3A_20, %mul3A : vector<1000x64xf32>
    %get3A_22 = arith.constant 0 : index
    %get3A_23 = arith.constant 0 : index
    %get3A_24 = vector.load %arg4[%get3A_22, %get3A_23] : memref<1x64xf32, #tpu.memory_space<vmem>>, vector<1x64xf32>
    %add3A_25 = vector.broadcast %get3A_24 : vector<1x64xf32> to vector<1000x64xf32>
    %add3A_26 = arith.addf %mul3A_21, %add3A_25 : vector<1000x64xf32>
    %swap3A = arith.constant 0 : index
    %swap3A_27 = arith.constant 0 : index
    %swap3A_28 = vector.load %arg5[%swap3A, %swap3A_27] : memref<1000x64xf32, #tpu.memory_space<vmem>>, vector<1000x64xf32>
    tpu.vector_store %arg5[%swap3A, %swap3A_27], %add3A_26 {strides = array<i32>} : memref<1000x64xf32, #tpu.memory_space<vmem>>, vector<1000x64xf32>,
    return
  }
  func.func @transform_0(%arg0: i32) -> (i32, i32, i32) {
    %c0_i32 = arith.constant 0 : i32
    %c0_i32_0 = arith.constant 0 : i32
    %c0_i32_1 = arith.constant 0 : i32
    return %c0_i32, %arg0, %c0_i32_0 : i32, i32, i32
  }
  func.func @transform_1(%arg0: i32) -> (i32, i32, i32, i32) {
    %c0_i32 = arith.constant 0 : i32
    %c0_i32_0 = arith.constant 0 : i32
    %c0_i32_1 = arith.constant 0 : i32
    %c0_i32_2 = arith.constant 0 : i32
    return %c0_i32, %arg0, %c0_i32_0, %c0_i32_1 : i32, i32, i32, i32
  }
  func.func @transform_2(%arg0: i32) -> (i32, i32) {
    %c0_i32 = arith.constant 0 : i32
    %c0_i32_0 = arith.constant 0 : i32
    %c0_i32_1 = arith.constant 0 : i32
    return %c0_i32, %c0_i32_0 : i32, i32
  }
  func.func @transform_3(%arg0: i32) -> (i32, i32) {
    %c0_i32 = arith.constant 0 : i32
    %c0_i32_0 = arith.constant 0 : i32
    %c0_i32_1 = arith.constant 0 : i32
    return %c0_i32, %c0_i32_0 : i32, i32
  }
  func.func @transform_4(%arg0: i32) -> (i32, i32) {
    %c0_i32 = arith.constant 0 : i32
    %c0_i32_0 = arith.constant 0 : i32
    return %arg0, %c0_i32 : i32, i32
  }
}

module attributes {stable_mosaic.version = 14 : i64} {
  func.func @body(%arg0: i32, %arg1: memref<2x1000x128xf32, #tpu.memory_space<vmem>>, %arg2: memref<32x1x1x1000xf32, #tpu.memory_space<vmem>>, %arg3: memref<32x1x1x1000xf32, #tpu.memory_space<vmem>>, %arg4: memref<1x128xf32, #tpu.memory_space<vmem>>, %arg5: memref<1000x128xf32, #tpu.memory_space<vmem>>) attributes {dimension_semantics = [#tpu.dimension_semantics<arbitrary>], iteration_bounds = array<i64: 10>, scalar_prefetch = 0 : i64, scratch_operands = 0 : i64, tpu.core_type = #tpu.core_type<tc>, window_params = [{transform_indices = @transform_0, window_bounds = array<i64: 2, 1000, 128>}, {transform_indices = @transform_1, window_bounds = array<i64: 32, 1, 1, 1000>}, {transform_indices = @transform_2, window_bounds = array<i64: 32, 1, 1, 1000>}, {pipeline_mode = #tpu.pipeline_mode<synchronous>, transform_indices = @transform_3, window_bounds = array<i64: 1, 128>}, {transform_indices = @transform_4, window_bounds = array<i64: 1000, 128>}]} {
    %get3A = arith.constant 0 : index
    %get3A_0 = arith.constant 0 : index
    %get3A_1 = arith.constant 0 : index
    %get3A_2 = vector.load %arg1[%get3A, %get3A_0, %get3A_1] : memref<2x1000x128xf32, #tpu.memory_space<vmem>>, vector<1x1000x128xf32>
    %get3A_3 = vector.shape_cast %get3A_2 : vector<1x1000x128xf32> to vector<1000x128xf32>
    %get3A_4 = arith.constant 1 : index
    %get3A_5 = arith.constant 0 : index
    %get3A_6 = arith.constant 0 : index
    %get3A_7 = vector.load %arg1[%get3A_4, %get3A_5, %get3A_6] : memref<2x1000x128xf32, #tpu.memory_space<vmem>>, vector<1x1000x128xf32>
    %get3A_8 = vector.shape_cast %get3A_7 : vector<1x1000x128xf32> to vector<1000x128xf32>
    %add3A = arith.addf %get3A_3, %get3A_8 : vector<1000x128xf32>
    %get3A_9 = arith.constant 0 : index
    %get3A_10 = arith.constant 0 : index
    %get3A_11 = arith.constant 0 : index
    %get3A_12 = arith.constant 0 : index
    %get3A_13 = vector.load %arg2[%get3A_9, %get3A_10, %get3A_11, %get3A_12] : memref<32x1x1x1000xf32, #tpu.memory_space<vmem>>, vector<32x1x1x1000xf32>
    %reduce_sum3A = arith.constant dense<0.000000e+00> : vector<1000xf32>
    %reduce_sum3A_14 = vector.multi_reduction <add>, %get3A_13, %reduce_sum3A [0, 1, 2] : vector<32x1x1x1000xf32> to vector<1000xf32>
    %max3A = arith.constant 1.000000e+00 : f32
    %max3A_15 = vector.broadcast %max3A : f32 to vector<1000xf32>
    %max3A_16 = arith.maximumf %reduce_sum3A_14, %max3A_15 : vector<1000xf32>
    %rsqrt3A = math.rsqrt %max3A_16 : vector<1000xf32>
    %get3A_17 = arith.constant 0 : index
    %get3A_18 = arith.constant 0 : index
    %get3A_19 = arith.constant 0 : index
    %get3A_20 = arith.constant 0 : index
    %get3A_21 = vector.load %arg3[%get3A_17, %get3A_18, %get3A_19, %get3A_20] : memref<32x1x1x1000xf32, #tpu.memory_space<vmem>>, vector<32x1x1x1000xf32>
    %reduce_sum3A_22 = arith.constant dense<0.000000e+00> : vector<1000xf32>
    %reduce_sum3A_23 = vector.multi_reduction <add>, %get3A_21, %reduce_sum3A_22 [0, 1, 2] : vector<32x1x1x1000xf32> to vector<1000xf32>
    %max3A_24 = arith.constant 1.000000e+00 : f32
    %max3A_25 = vector.broadcast %max3A_24 : f32 to vector<1000xf32>
    %max3A_26 = arith.maximumf %reduce_sum3A_23, %max3A_25 : vector<1000xf32>
    %rsqrt3A_27 = math.rsqrt %max3A_26 : vector<1000xf32>
    %broadcast_in_dim3A = vector.shape_cast %rsqrt3A : vector<1000xf32> to vector<1000x1xf32>
    %mul3A = vector.broadcast %broadcast_in_dim3A : vector<1000x1xf32> to vector<1000x128xf32>
    %mul3A_28 = arith.mulf %add3A, %mul3A : vector<1000x128xf32>
    %get3A_29 = arith.constant 0 : index
    %get3A_30 = arith.constant 0 : index
    %get3A_31 = vector.load %arg4[%get3A_29, %get3A_30] : memref<1x128xf32, #tpu.memory_space<vmem>>, vector<1x128xf32>
    %add3A_32 = vector.broadcast %get3A_31 : vector<1x128xf32> to vector<1000x128xf32>
    %add3A_33 = arith.addf %mul3A_28, %add3A_32 : vector<1000x128xf32>
    %max3A_34 = arith.constant 0.000000e+00 : f32
    %max3A_35 = vector.broadcast %max3A_34 : f32 to vector<1000x128xf32>
    %max3A_36 = arith.maximumf %add3A_33, %max3A_35 : vector<1000x128xf32>
    %broadcast_in_dim3A_37 = vector.shape_cast %rsqrt3A_27 : vector<1000xf32> to vector<1000x1xf32>
    %mul3A_38 = vector.broadcast %broadcast_in_dim3A_37 : vector<1000x1xf32> to vector<1000x128xf32>
    %mul3A_39 = arith.mulf %max3A_36, %mul3A_38 : vector<1000x128xf32>
    %swap3A = arith.constant 0 : index
    %swap3A_40 = arith.constant 0 : index
    %swap3A_41 = vector.load %arg5[%swap3A, %swap3A_40] : memref<1000x128xf32, #tpu.memory_space<vmem>>, vector<1000x128xf32>
    tpu.vector_store %arg5[%swap3A, %swap3A_40], %mul3A_39 {strides = array<i32>} : memref<1000x128xf32, #tpu.memory_space<vmem>>, vector<1000x128xf32>,
    return
  }
  func.func @transform_0(%arg0: i32) -> (i32, i32, i32) {
    %c0_i32 = arith.constant 0 : i32
    %c0_i32_0 = arith.constant 0 : i32
    %c0_i32_1 = arith.constant 0 : i32
    return %c0_i32, %arg0, %c0_i32_0 : i32, i32, i32
  }
  func.func @transform_1(%arg0: i32) -> (i32, i32, i32, i32) {
    %c0_i32 = arith.constant 0 : i32
    %c0_i32_0 = arith.constant 0 : i32
    %c0_i32_1 = arith.constant 0 : i32
    %c0_i32_2 = arith.constant 0 : i32
    return %c0_i32, %arg0, %c0_i32_0, %c0_i32_1 : i32, i32, i32, i32
  }
  func.func @transform_2(%arg0: i32) -> (i32, i32, i32, i32) {
    %c0_i32 = arith.constant 0 : i32
    %c0_i32_0 = arith.constant 0 : i32
    %c0_i32_1 = arith.constant 0 : i32
    %c0_i32_2 = arith.constant 0 : i32
    return %c0_i32, %arg0, %c0_i32_0, %c0_i32_1 : i32, i32, i32, i32
  }
  func.func @transform_3(%arg0: i32) -> (i32, i32) {
    %c0_i32 = arith.constant 0 : i32
    %c0_i32_0 = arith.constant 0 : i32
    %c0_i32_1 = arith.constant 0 : i32
    return %c0_i32, %c0_i32_0 : i32, i32
  }
  func.func @transform_4(%arg0: i32) -> (i32, i32) {
    %c0_i32 = arith.constant 0 : i32
    %c0_i32_0 = arith.constant 0 : i32
    return %arg0, %c0_i32 : i32, i32
  }
}

</mosaic_0001>

<sc_bundles>
// kernel: kernel.12.cloned.1.call-start
scs
__scs_entry_jumppad:
0x0: {  	(pc) =	sbr.rel $0x88, $3  }
0x1: {  	(tag) =	ssettag $0x0;
	lr =	simm.s32 $0x1  }
0x2: {  	[smem:$0x3F9B] =	sst lr;
	_ =	strace $0xD0000000  }
0x3: {  	_ = 	snop  }
0x4: {  	_ = 	snop  }
0x5: {  	_ = 	snop  }
0x6: {  	_ = 	snop  }
0x7: {  	_ = 	snop  }
__scs_overlays_trampoline_lowered:
0x8: {  	[smem:$0x3FAA] =	sst s0  }
0x9: {  	[smem:$0x3FAB] =	sst s1  }
0xa: {  	[smem:$0x3FAC] =	sst s2  }
0xb: {  	[smem:$0x3FAD] =	sst s3  }
0xc: {  	[smem:$0x3FAE] =	sst s4  }
0xd: {  	[smem:$0x3FAF] =	sst s5  }
0xe: {  	[smem:$0x3FB0] =	sst s6  }
0xf: {  	[smem:$0x3FB1] =	sst s7  }
0x10: {  	[smem:$0x3FB2] =	sst s8  }
0x11: {  	[smem:$0x3FB3] =	sst s9;
	s0 =	simm.s32 @!p0 $0x0  }
0x12: {  	s1 =	sld [smem:$0x3F99];
	s0 =	simm.s32 @p0 $0x1  }
0x13: {  	[smem:$0x3FB4] =	sst s0;
	s0 =	simm.s32 @!p1 $0x0  }
0x14: {  	s2 =	sld [smem:$0x3F98];
	s0 =	simm.s32 @p1 $0x1  }
0x15: {  	[smem:$0x3FB5] =	sst s0;
	s0 =	simm.s32 @!p2 $0x0  }
0x16: {  	s3 =	sld [smem:$0x3FDB];
	s0 =	simm.s32 @p2 $0x1  }
0x17: {  	s4 =	simm.s32 $0x1BF5;
	[smem:$0x3FB7] =	sst s0  }
0x18: {  	s0 =	sld [smem:$0x3F9A];
	_ =	swait.ge [sflag:s4], $0x0  }
0x19: {  	s7 =	sld [smem:$0x3F9B]  }
0x1a: {  	s8 =	sadd.s32 $0xFFFFE003, lr  }
0x1b: {  	s9 =	sadd.s32 $0xFFFFFEF7, lr;
	s5 =	simm.s32 $0xFFFFFFFF;
	p2 =	slt.u32 s8, $0xFFFFF086  }
0x1c: {  	p1 =	slt.u32 s9, $0xF7A;
	s5 =	simm.s32 @!p2 $0x0  }
0x1d: {  	s5 =	simm.s32 @p1 $0x1;
	p0 =	seq.s32 s7, s2  }
0x1e: {  	s7 =	smul.u32 @!p0 $0xF7A, s2;
	p2 =	seq.s32 @!p0 s5, $0x0  }
0x1f: {  	s9 =	smul.u32 $0xF7A, s1;
	s8 =	simm.s32 @!p0 $0x1BF5;
	p2 =	por !p2, p0  }
0x20: {  	[sflag:s8] =	ssyncset.s32 @!p0 $0xFFFFF086;
	s6 =	sadd.s32 @!p0 s3, s7;
	s7 =	simm.s32 @!p0 $0x108  }
0x21: {  	s3 =	sadd.s32 s3, s9;
	s6 =	sadd.s32 @!p0 $0x88, s6;
	s7 =	simm.s32 @p2 $0x1082  }
0x22: {  	[simem:s7], [sflag:s8] =	dma.local @!p0 [hbm:s6], $0xF7A  }
0x23: {  	s9 =	sor.u32 $0xD0000000, s2;
	s6 =	simm.s32 $0x108;
	_ =	swait.ge @!p0 [sflag:s8], $0x0  }
0x24: {  	s3 =	sadd.s32 $0x88, s3;
	s6 =	simm.s32 @!p1 $0x1082;
	[sflag:s4] =	ssyncset.s32 $0xFFFFF086  }
0x25: {  	[simem:s6], [sflag:s4] =	dma.local [hbm:s3], $0xF7A  }
0x26: {  	[smem:$0x3F9B] =	sst s1;
	(tag) =	ssettag s2;
	_ =	strace s9  }
0x27: {  	s1 =	sld [smem:$0x3FAB]  }
0x28: {  	s2 =	sld [smem:$0x3FAC]  }
0x29: {  	s4 =	sld [smem:$0x3FAE]  }
0x2a: {  	p0 =	seq.s32 s5, $0x0;
	s5 =	sld [smem:$0x3FAF]  }
0x2b: {  	s6 =	sld [smem:$0x3FB0]  }
0x2c: {  	s7 =	sld [smem:$0x3FB1]  }
0x2d: {  	s3 =	simm.s32 $0x108;
	s8 =	sld [smem:$0x3FB2]  }
0x2e: {  	s3 =	simm.s32 @!p0 $0x1082;
	s9 =	sld [smem:$0x3FB3]  }
0x2f: {  	lr =	sadd.s32 s0, s3;
	s0 =	sld [smem:$0x3FAA]  }
0x30: {  	s3 =	sld [smem:$0x3FAD]  }
0x31: {  	[smem:$0x3FB6] =	sst s10  }
0x32: {  	s10 =	sld [smem:$0x3FB4];
	_ =	sdelay $0x3  }
0x33: {  	p0 =	seq.s32 s10, $0x1;
	s10 =	sld [smem:$0x3FB6];
	_ =	sdelay $0x3  }
0x34: {  	[smem:$0x3FB6] =	sst s10  }
0x35: {  	s10 =	sld [smem:$0x3FB5];
	_ =	sdelay $0x3  }
0x36: {  	p1 =	seq.s32 s10, $0x1;
	s10 =	sld [smem:$0x3FB6];
	_ =	sdelay $0x3  }
0x37: {  	[smem:$0x3FB6] =	sst s10  }
0x38: {  	s10 =	sld [smem:$0x3FB7]  }
0x39: {  	_ = 	snop;
	(pc) =	sbr.ind lr, $3  }
0x3a: {  	_ = 	snop  }
0x3b: {  	_ = 	snop  }
0x3c: {  	p2 =	seq.s32 s10, $0x1;
	s10 =	sld [smem:$0x3FB6]  }
0x3d: {  	_ =	shalt  }
0x3e: {  	_ =	shalt  }
0x3f: {  	_ =	shalt  }
0x40: {  	_ =	shalt  }
0x41: {  	_ =	shalt  }
0x42: {  	_ =	shalt  }
0x43: {  	_ =	shalt  }
0x44: {  	_ =	shalt  }
0x45: {  	_ =	shalt  }
0x46: {  	_ =	shalt  }
0x47: {  	_ =	shalt  }
0x48: {  	_ =	shalt  }
0x49: {  	_ =	shalt  }
0x4a: {  	_ =	shalt  }
0x4b: {  	_ =	shalt  }
0x4c: {  	_ =	shalt  }
0x4d: {  	_ =	shalt  }
0x4e: {  	_ =	shalt  }
0x4f: {  	_ =	shalt  }
0x50: {  	_ =	shalt  }
0x51: {  	_ =	shalt  }
0x52: {  	_ =	shalt  }
0x53: {  	_ =	shalt  }
0x54: {  	_ =	shalt  }
0x55: {  	_ =	shalt  }
0x56: {  	_ =	shalt  }
0x57: {  	_ =	shalt  }
0x58: {  	_ =	shalt  }
0x59: {  	_ =	shalt  }
0x5a: {  	_ =	shalt  }
0x5b: {  	_ =	shalt  }
0x5c: {  	_ =	shalt  }
0x5d: {  	_ =	shalt  }
0x5e: {  	_ =	shalt  }
0x5f: {  	_ =	shalt  }
0x60: {  	_ =	shalt  }
0x61: {  	_ =	shalt  }
0x62: {  	_ =	shalt  }
0x63: {  	_ =	shalt  }
0x64: {  	_ =	shalt  }
0x65: {  	_ =	shalt  }
0x66: {  	_ =	shalt  }
0x67: {  	_ =	shalt  }
0x68: {  	_ =	shalt  }
0x69: {  	_ =	shalt  }
0x6a: {  	_ =	shalt  }
0x6b: {  	_ =	shalt  }
0x6c: {  	_ =	shalt  }
0x6d: {  	_ =	shalt  }
0x6e: {  	_ =	shalt  }
0x6f: {  	_ =	shalt  }
0x70: {  	_ =	shalt  }
0x71: {  	_ =	shalt  }
0x72: {  	_ =	shalt  }
0x73: {  	_ =	shalt  }
0x74: {  	_ =	shalt  }
0x75: {  	_ =	shalt  }
0x76: {  	_ =	shalt  }
0x77: {  	_ =	shalt  }
0x78: {  	_ =	shalt  }
0x79: {  	_ =	shalt  }
0x7a: {  	_ =	shalt  }
0x7b: {  	_ =	shalt  }
0x7c: {  	_ =	shalt  }
0x7d: {  	_ =	shalt  }
0x7e: {  	_ =	shalt  }
0x7f: {  	_ =	shalt  }
0x80: {  	_ =	shalt  }
0x81: {  	_ =	shalt  }
0x82: {  	_ =	shalt  }
0x83: {  	_ =	shalt  }
0x84: {  	_ =	shalt  }
0x85: {  	_ =	shalt  }
0x86: {  	_ =	shalt  }
0x87: {  	_ =	shalt  }
.Lfunc_end0:
.L_simem_size_0:
called_computation.1_lowered:
.L_overlay_start_0:
0x88: {  	s2 =	sld [smem:$0x3FD9]  }
0x89: {  	s3 =	sld [smem:$0x3FFE];
	_ =	sdelay $0x1  }
0x8a: {  	s1 =	srdreg.scid  }
0x8b: {  	s0 =	sand.u32 $0x1, s1  }
0x8c: {  	s17 =	sshll.u32 s0, $0xA;
	s2 =	sadd.s32 s3, s2  }
0x8d: {  	s2 =	sadd.s32 s2, s17  }
0x8e: {  	[smem:$0x3FC2] =	sst s2  }
0x8f: {  	_ = 	snop  }
0x90: {  	s2 =	sld [smem:$0x3FD0];
	(tm) =	ssettm $0x1  }
0x91: {  	s18 =	sld [smem:$0x3FFB];
	_ =	sdelay $0x3  }
0x92: {  	_ =	strace s18  }
0x93: {  	s3 =	sld [smem:$0x3FFC];
	_ =	sdelay $0x3  }
0x94: {  	_ =	strace s3  }
0x95: {  	s3 =	sld [smem:$0x3FFD];
	_ =	sdelay $0x3  }
0x96: {  	_ =	strace s3  }
0x97: {  	_ =	strace $0x8FFFFFFF  }
0x98: {  	s19 =	sld [smem:$0x3FDB];
	_ =	sdelay $0x1  }
0x99: {  	s4 =	simm.s32 $_scs_section_size  }
0x9a: {  	s5 =	simm.s32 $_size__tile_overlayer_lowered;
	s6 =	simm.s32 $_tile_overlayer_lowered  }
0x9b: {  	s22 =	simm.s32 $0x1BFF;
	s21 =	sshll.u32 s6, $0x1;
	s3 =	sadd.s32 s4, s19  }
0x9c: {  	s7 =	simm.s32 $0x0;
	s20 =	sshll.u32 s5, $0x1;
	s5 =	sadd.s32 s21, s3  }
0x9d: {  	[timem:s7], [sflag:s22] =	dma.local [hbm:s5], s20  }
0x9e: {  	_ =	swait.ge [sflag:s22], s20  }
0x9f: {  	s4 =	ssub.s32 $0x0, s20;
	[sflag:s22] =	ssyncset.done $0x0  }
0xa0: {  	[sflag:s22] =	ssyncadd.s32 s4;
	_ =	sdelay $0x1  }
0xa1: {  	s23 =	simm.s32 $0x1B8B  }
0xa2: {  	_ =	swait.ge [sflag:s23], $0x1  }
0xa3: {  	[sflag:s23] =	ssyncset.done $0x0  }
0xa4: {  	s25 =	simm.s32 $0x1B8E;
	s24 =	sld [smem:$0x3FFE];
	[sflag:s23] =	ssyncadd.s32 $0xFFFFFFFF  }
0xa5: {  	s26 =	simm.s32 $execute0_lowered;
	[smem:$0x3FD2] =	sst s25  }
0xa6: {  	s5 =	sshll.u32 s26, $0x1;
	_ =	strace $0x80000049;
	[dreg:$0x1] =	wrdreg $0xFFFFFFFF  }
0xa7: {  	s28 =	simm.s32 $_size_execute0_lowered;
	s3 =	sadd.s32 s3, s5;
	[dreg:$0x0] =	wrdreg $0x0  }
0xa8: {  	s5 =	sshll.u32 s28, $0x1;
	[dreg:$0x2] =	wrdreg s3  }
0xa9: {  	[dreg:$0x3] =	wrdreg s5  }
0xaa: {  	[dreg:$0x4] =	wrdreg $0xC0  }
0xab: {  	_ =	task [dreg:s7], $0x5FFFF  }
0xac: {  	[dreg:$0x1] =	wrdreg $0xFFFFFFFF  }
0xad: {  	[dreg:$0x0] =	wrdreg $0x60  }
0xae: {  	[dreg:$0x2] =	wrdreg s24  }
0xaf: {  	[dreg:$0x3] =	wrdreg s2  }
0xb0: {  	[dreg:$0x4] =	wrdreg $0xA0000  }
0xb1: {  	[dreg:$0x5] =	wrdreg $0x9  }
0xb2: {  	_ =	task.clear_ibuf [dreg:s7], $0x6FFFF;
	_ =	strace $0x90000049  }
0xb3: {  	s29 =	simm.s32 $0x9;
	_ =	strace $0x8000004B  }
0xb4: {  	_ =	swait.ge [sflag:s29], $0x1  }
0xb5: {  	[sflag:s29] =	ssyncadd.s32 $0xFFFFFFFF  }
0xb6: {  	_ =	strace $0x9000004B  }
0xb7: {  	_ =	sfence  }
0xb8: {  	s30 =	sld [smem:$0x0];
	_ =	sdelay $0x2  }
0xb9: {  	s31 =	sshll.u32 s1, $0xD;
	s1 =	sshrl.u32 s1, $0x2  }
0xba: {  	s3 =	sand.u32 $0x4000, s31;
	s1 =	sadd.s32 s1, s30  }
0xbb: {  	s0 =	sor.u32 s3, s0;
	s1 =	sshll.u32 s1, $0x11  }
0xbc: {  	s0 =	sor.u32 s1, s0  }
0xbd: {  	s0 =	sadd.s32 $0x8F2B, s0  }
0xbe: {  	[sflag:s0] =	ssyncadd.remote.s32 $0x1  }
0xbf: {  	_ =	sfence.sel $0xFFFF  }
0xc0: {  	[dreg:$0x0] =	wrdreg $0xFFFFFFFF;
	(pc) =	sbr.abs _section_cstart, $3  }
0xc1: {  	[dreg:$0x1] =	wrdreg $0xFFFFFFFF  }
0xc2: {  	_ =	task.clear_ibuf [dreg:s7], $0x2FFFF;
	_ =	strace $0x9FFFFFFF  }
0xc3: {  	(tm) =	ssettm $0x7FFFFFFF  }
tec
execute0_lowered:
.L_overlay_start_1:
0x0: {  	(tag) =	ssettag $0x1  }
0x1: {  	s0 =	rddreg [dreg:$0x0]  }
0x2: {  	s1 =	rddreg [dreg:$0x1]  }
0x3: {  	s3 =	rddreg [dreg:$0x2]  }
0x4: {  	s4 =	simm.s32 $0x0;
	s5 =	stileid.u32;
	s2 =	srdreg.scid  }
0x5: {  	s18 =	simm.s32 $0x1;
	s19 =	simm.s32 $0x1000;
	s20 =	simm.s32 $0x80  }
0x6: {  	s21 =	simm.s32 $0x2000;
	s23 =	simm.s32 $0x4;
	s24 =	simm.s32 $0x5  }
0x7: {  	[smem:$0x7FF] =	sst s4;
	s9 =	smul.u32 $0x2780, s5;
	s2 =	sand.u32 $0x1, s2  }
0x8: {  	s6 =	sadd.s32 $0x51800, s0;
	s7 =	sadd.s32 $0xC600, s0;
	s11 =	smul.u32 $0x4F000, s5  }
0x9: {  	s15 =	sadd.s32 $0x128400, s3;
	s16 =	smul.u32 $0x50, s5;
	p0 =	seq.s32 s5, $0xF  }
0xa: {  	_ =	strace $0x8000004A;
	s8 =	smul.u32 $0x27100, s2;
	s10 =	sshll.u32 s2, $0x4  }
0xb: {  	s25 =	ssub.s32 $0x2, s2;
	s2 =	smul.u32 $0x500, s2;
	s15 =	sshrl.u32 @p0 s15, $0x3  }
0xc: {  	[dreg:$0x4] =	wrdreg s9;
	s9 =	sadd.s32 s9, s0;
	s10 =	sor.u32 s5, s10  }
0xd: {  	s13 =	sshrl.u32 s25, $0x1;
	s11 =	sshrl.u32 s11, $0x2;
	s12 =	sadd.s32 s8, s0  }
0xe: {  	s14 =	smul.u32 $0x500, s10;
	s13 =	ssub.s32 s25, s13;
	s17 =	sadd.s32 s11, s3  }
0xf: {  	s26 =	sadd.s32 $0x16600, s9;
	s0 =	sadd.s32 $0x3B680, s0;
	s30 =	sadd.s32 s16, s2  }
0x10: {  	s2 =	sshll.u32 @!p0 s5, $0x6;
	s25 =	simm.s32 $0x0;
	[dreg:$0x5] =	wrdreg s26  }
0x11: {  	[dreg:$0x6] =	wrdreg s0;
	s10 =	sadd.s32 $0x78A00, s12;
	s28 =	smax.u32 s13, $0x1  }
0x12: {  	s0 =	sshll.u32 s30, $0x4;
	[dreg:$0x7] =	wrdreg s28;
	s29 =	sadd.s32 s1, s14  }
0x13: {  	s16 =	sor.u32 @!p0 $0x1C06, s2;
	s31 =	sadd.s32 s7, s14;
	[dreg:$0x8] =	wrdreg s29  }
0x14: {  	s17 =	sshrl.u32 @!p0 s17, $0x3;
	s14 =	sor.u32 $0x20, s0;
	[dreg:$0x9] =	wrdreg s31  }
.LBB2_1:
0x15: {  	s0 =	simm.s32 @p0 $0x1FC6;
	s2 =	rddreg [dreg:$0x6]  }
0x16: {  	[spmem:s15], [sflag:s0] =	dma.local @p0 [hbm:s2], $0x2100  }
0x17: {  	s0 =	simm.s32 @p0 $0x6  }
0x18: {  	_ =	swait.ge @p0 [sflag:s0], $0x2100  }
0x19: {  	[sflag:s0] =	ssyncset.done @p0 $0x0  }
0x1a: {  	[sflag:s0] =	ssyncadd.s32 @p0 $0xFFFFDF00;
	s0 =	rddreg [dreg:$0x5]  }
0x1b: {  	[spmem:s17], [sflag:s16] =	dma.local @!p0 [hbm:s0], $0x2780  }
0x1c: {  	s0 =	simm.s32 @!p0 $0x6  }
0x1d: {  	_ =	swait.ge @!p0 [sflag:s0], $0x2780  }
0x1e: {  	[sflag:s0] =	ssyncset.done @!p0 $0x0  }
0x1f: {  	[sflag:s0] =	ssyncadd.s32 @!p0 $0xFFFFD880  }
0x20: {  	[bflag:$0x0] =	sbarrier.arrive $0xFFFF  }
0x21: {  	s5 =	rddreg [dreg:$0x8]  }
0x22: {  	[tilespmem:s4], [sflag:$0x1] =	stream.linear.gather [hbm4b:s5+s4], $0x800, $0x38;
	[tilespmem:$0x1D8C0] =	vst v63  }
0x23: {  	_ =	swait.ge [sflag:s18], $0x800  }
0x24: {  	[sflag:s18] =	ssyncset.done $0x0  }
0x25: {  	s8 =	rddreg [dreg:$0x9];
	[sflag:s18] =	ssyncadd.s32 $0xFFFFF800  }
0x26: {  	[tilespmem:s19], [sflag:$0x1] =	stream.linear.gather [hbm4b:s8+s4], $0x800, $0x38;
	[tilespmem:$0x1D8C0] =	vst v63  }
0x27: {  	_ =	swait.ge [sflag:s18], $0x800  }
0x28: {  	[sflag:s18] =	ssyncset.done $0x0  }
0x29: {  	s9 =	simm.s32 $0x6000;
	s0 =	simm.s32 $0x2;
	[sflag:s18] =	ssyncadd.s32 $0xFFFFF800  }
0x2a: {  	[tilespmem:s21], [sflag:$0x2] =	stream.indirect.gather [hbm4b:s6+s20], $0x80, s4, s20, $0xb8;
	[tilespmem:$0x1D8C0] =	vst v63  }
0x2b: {  	p1 =	por $0x0, $0x0;
	s22 =	simm.s32 $0x100;
	s2 =	sand.u32 $0xF, s0  }
0x2c: {  	[tilespmem:s9], [sflag:$0x3] =	stream.indirect.gather [hbm4b:s6+s20], $0x80, s20, s20, $0xb8;
	[tilespmem:$0x1D8C0] =	vst v63  }
0x2d: {  	s11 =	simm.s32 $0x200;
	p2 =	sne.s32 @!p1 s2, $0x0;
	_ =	swait.ge [sflag:s0], $0x4000  }
0x2e: {  	s31 =	simm.s32 @!p1 $0x80;
	p2 =	por p2, p1;
	[sflag:s0] =	ssyncset.done $0x0  }
0x2f: {  	s26 =	sand.u32 @!p2 $0x1FFFFF00, s14;
	s28 =	simm.s32 @!p2 $0x1;
	[sflag:s0] =	ssyncadd.s32 $0xFFFFC000  }
0x30: {  	[spmem:s3] =	stream.indirect.scatter.add.f32 [tilespmem:s21], [sflag:$0x4], $0x80, s19, s20, $0xb8;
	[tilespmem:$0x1D8C0] =	vst v63  }
0x31: {  	s22 =	sand.u32 @!p2 $0x800, s22;
	s30 =	simm.s32 @!p2 $0x0;
	s29 =	sadd.s32 @!p2 s1, s26  }
0x32: {  	[tilespmem:s22], [sflag:$0x1] =	stream.linear.gather @!p2 [hbm4b:s29+s30], $0x800, $0x38;
	[tilespmem:$0x1D8C0] =	vst v63  }
0x33: {  	s2 =	sshll.u32 @!p1 s2, $0x7;
	s5 =	simm.s32 $0x1;
	_ =	swait.ge @!p2 [sflag:s28], $0x800  }
0x34: {  	s12 =	sand.u32 $0x1, s5;
	s26 =	sadd.s32 @!p2 s7, s26;
	[sflag:s28] =	ssyncset.done @!p2 $0x0  }
0x35: {  	s5 =	sshll.u32 s12, $0xE;
	s22 =	sor.u32 @!p2 $0x1000, s22;
	[sflag:s28] =	ssyncadd.s32 @!p2 $0xFFFFF800  }
0x36: {  	[tilespmem:s22], [sflag:$0x1] =	stream.linear.gather @!p2 [hbm4b:s26+s30], $0x800, $0x38;
	[tilespmem:$0x1D8C0] =	vst v63  }
0x37: {  	s0 =	sand.u32 @!p1 $0x1, s0;
	s29 =	simm.s32 $0x400;
	_ =	swait.ge @!p2 [sflag:s28], $0x800  }
0x38: {  	s29 =	sand.u32 @!p1 $0x2000, s29;
	s22 =	sshll.u32 @!p1 s0, $0xE;
	[sflag:s28] =	ssyncset.done @!p2 $0x0  }
0x39: {  	s26 =	sshrl.u32 @!p1 s29, $0x2;
	s30 =	sor.u32 @!p1 $0x4, s0;
	[sflag:s28] =	ssyncadd.s32 @!p2 $0xFFFFF800  }
0x3a: {  	s0 =	sor.u32 @!p1 $0x2, s0;
	s29 =	sadd.s32 $0x10, s14;
	_ =	swait.ge @!p1 [sflag:s30], $0x4000  }
0x3b: {  	s22 =	sor.u32 @!p1 $0x2000, s22;
	s2 =	sor.u32 @!p1 s2, s26;
	[sflag:s30] =	ssyncset.done @!p1 $0x0  }
0x3c: {  	s26 =	simm.s32 $0x3;
	s28 =	simm.s32 $0x180;
	[sflag:s30] =	ssyncadd.s32 @!p1 $0xFFFFC000  }
0x3d: {  	[tilespmem:s22], [sflag:s0] =	stream.indirect.gather @!p1 [hbm4b:s6+s31], $0x80, s2, s31, $0xb8;
	[tilespmem:$0x1D8C0] =	vst v63  }
0x3e: {  	s30 =	simm.s32 $0x600;
	s31 =	sor.u32 $0x2, s12;
	s0 =	sand.u32 $0x3E00, s11  }
0x3f: {  	s2 =	sor.u32 $0x2000, s5;
	_ =	swait.ge [sflag:s31], $0x4000;
	s13 =	sshrl.u32 s0, $0x2  }
0x40: {  	s0 =	sor.u32 $0x4, s12;
	[sflag:s31] =	ssyncset.done $0x0;
	s22 =	sor.u32 $0x1000, s13  }
.LBB2_2:
0x41: {  	s5 =	sand.u32 $0xF, s26  }
0x42: {  	p1 =	seq.s32 s26, $0x50;
	[sflag:s31] =	ssyncadd.s32 $0xFFFFC000;
	s31 =	smov.u32 s26  }
0x43: {  	[spmem:s3] =	stream.indirect.scatter.add.f32 [tilespmem:s2], [sflag:s0], $0x80, s22, s20, $0xb8;
	[tilespmem:$0x1D8C0] =	vst v63  }
0x44: {  	p2 =	sne.s32 @!p1 s5, $0x0;
	s0 =	sand.u32 @!p1 $0x1, s26;
	s2 =	sand.u32 @!p1 $0x2000, s30  }
0x45: {  	p2 =	por p2, p1;
	s22 =	sshll.u32 @!p1 s0, $0xE;
	s2 =	sshrl.u32 @!p1 s2, $0x2  }
0x46: {  	s5 =	sshll.u32 @!p1 s5, $0x7;
	s8 =	sand.u32 @!p2 $0x1FFFFF00, s29;
	s9 =	simm.s32 @!p2 $0x1  }
0x47: {  	s11 =	sand.u32 @!p2 $0x800, s28;
	s13 =	simm.s32 @!p2 $0x0;
	s12 =	sadd.s32 @!p2 s1, s8  }
0x48: {  	[tilespmem:s11], [sflag:$0x1] =	stream.linear.gather @!p2 [hbm4b:s12+s13], $0x800, $0x38;
	[tilespmem:$0x1D8C0] =	vst v63  }
0x49: {  	s8 =	sadd.s32 @!p2 s7, s8;
	s11 =	sor.u32 @!p2 $0x1000, s11;
	_ =	swait.ge @!p2 [sflag:s9], $0x800  }
0x4a: {  	s2 =	sor.u32 @!p1 s5, s2;
	s12 =	sor.u32 @!p1 $0x2000, s22;
	[sflag:s9] =	ssyncset.done @!p2 $0x0  }
0x4b: {  	s26 =	sadd.s32 $0x1, s26;
	s5 =	sor.u32 @!p1 $0x2, s0;
	[sflag:s9] =	ssyncadd.s32 @!p2 $0xFFFFF800  }
0x4c: {  	[tilespmem:s11], [sflag:$0x1] =	stream.linear.gather @!p2 [hbm4b:s8+s13], $0x800, $0x38;
	[tilespmem:$0x1D8C0] =	vst v63  }
0x4d: {  	p3 =	sne.s32 s26, $0x51;
	_ =	swait.ge @!p2 [sflag:s9], $0x800  }
0x4e: {  	s28 =	sadd.s32 $0x80, s28;
	[sflag:s9] =	ssyncset.done @!p2 $0x0  }
0x4f: {  	s0 =	sor.u32 @!p1 $0x4, s0;
	s29 =	sadd.s32 $0x10, s29;
	[sflag:s9] =	ssyncadd.s32 @!p2 $0xFFFFF800  }
0x50: {  	s8 =	sadd.s32 $0xFFFFFE00, s30;
	s30 =	sadd.s32 $0x200, s30;
	_ =	swait.ge @!p1 [sflag:s0], $0x4000  }
0x51: {  	s11 =	sadd.s32 $0xFFFFFFFF, s31;
	s9 =	simm.s32 @!p1 $0x80;
	[sflag:s0] =	ssyncset.done @!p1 $0x0  }
.Ltmp0:
0x52: {  	[sflag:s0] =	ssyncadd.s32 @!p1 $0xFFFFC000;
	s0 =	sand.u32 $0x1, s11;
	(pc) =	sbr.rel @p3 .LBB2_2-.Ltmp0, $4  }
0x53: {  	[tilespmem:s12], [sflag:s5] =	stream.indirect.gather @!p1 [hbm4b:s6+s9], $0x80, s2, s9, $0xb8;
	[tilespmem:$0x1D8C0] =	vst v63  }
0x54: {  	s2 =	sshll.u32 s0, $0xE;
	s31 =	sor.u32 $0x2, s0;
	s5 =	sand.u32 $0x3E00, s8  }
0x55: {  	s0 =	sor.u32 $0x4, s0;
	s5 =	sshrl.u32 s5, $0x2;
	_ =	swait.ge [sflag:s31], $0x4000  }
0x56: {  	s2 =	sor.u32 $0x2000, s2;
	s22 =	sor.u32 $0x1000, s5;
	[sflag:s31] =	ssyncset.done $0x0  }
0x57: {  	[sflag:s31] =	ssyncadd.s32 $0xFFFFC000  }
0x58: {  	[spmem:s3] =	stream.indirect.scatter.add.f32 [tilespmem:s2], [sflag:s0], $0x80, s22, s20, $0xb8;
	[tilespmem:$0x1D8C0] =	vst v63  }
0x59: {  	_ =	swait.ge [sflag:s23], $0x4000  }
0x5a: {  	[sflag:s23] =	ssyncset.done $0x0  }
0x5b: {  	[sflag:s23] =	ssyncadd.s32 $0xFFFFC000  }
0x5c: {  	_ =	swait.ge [sflag:s24], $0x4000  }
0x5d: {  	[sflag:s24] =	ssyncset.done $0x0  }
0x5e: {  	[sflag:s24] =	ssyncadd.s32 $0xFFFFC000  }
0x5f: {  	s0 =	sadd.s32 @p0 $0x25080, s10;
	s2 =	simm.s32 @p0 $0x1FC6;
	[bflag:$0x0] =	sbarrier.arrive $0xFFFF  }
0x60: {  	[hbm:s0], [sflag:s2] =	dma.local @p0 [spmem:s15], $0x2080  }
0x61: {  	s0 =	simm.s32 @p0 $0x6  }
0x62: {  	_ =	swait.ge @p0 [sflag:s0], $0x2080  }
0x63: {  	[sflag:s0] =	ssyncset.done @p0 $0x0  }
0x64: {  	[sflag:s0] =	ssyncadd.s32 @p0 $0xFFFFDF80;
	s0 =	rddreg [dreg:$0x4]  }
0x65: {  	s0 =	sadd.s32 @!p0 s0, s10  }
0x66: {  	[hbm:s0], [sflag:s16] =	dma.local @!p0 [spmem:s17], $0x2780  }
0x67: {  	s0 =	simm.s32 @!p0 $0x6  }
0x68: {  	_ =	swait.ge @!p0 [sflag:s0], $0x2780  }
0x69: {  	s25 =	sadd.s32 $0x1, s25;
	s31 =	rddreg [dreg:$0x7]  }
0x6a: {  	p1 =	sne.s32 s25, s31  }
.Ltmp1:
0x6b: {  	_ = 	snop;
	(pc) =	sbr.rel @p1 .LBB2_1-.Ltmp1, $3  }
0x6c: {  	_ =	sdelay $0x1  }
0x6d: {  	[sflag:s0] =	ssyncset.done @!p0 $0x0  }
0x6e: {  	[sflag:s0] =	ssyncadd.s32 @!p0 $0xFFFFD880  }
0x6f: {  	_ =	sfence.sel $0x180000  }
0x70: {  	[bflag:$0x0] =	sbarrier.arrive $0xFFFF  }
0x71: {  	_ =	strace $0x9000004A  }
0x72: {  	s0 =	stileid.u32;
	[bflag:$0x2] =	sbarrier.arrive $0xFFFF  }
0x73: {  	p0 =	sne.s32 s0, $0x0;
	s0 =	rddreg [dreg:$0x3]  }
0x74: {  	s0 =	sadd.s32 @!p0 $0x100000, s0  }
0x75: {  	[sflag:s0] =	ssyncadd.tile.s32 @!p0 $0x1;
	_ =	shalt  }
.Lfunc_end2:
_tile_overlayer_lowered:
.L_overlay_start_2:
0x76: {  	(tag) =	ssettag $0x2  }
0x77: {  	s0 =	rddreg [dreg:$0x0];
	s2 =	stileid.u32  }
0x78: {  	s1 =	rddreg [dreg:$0x1];
	p0 =	sne.s32 s2, $0x0  }
0x79: {  	s3 =	rddreg [dreg:$0x2];
	[bflag:$0x3] =	sbarrier.arrive $0xFFFF;
	s2 =	simm.s32 @!p0 $0x1C06  }
0x7a: {  	[timem:s3], [sflag:s2] =	dma.local @!p0 [hbm:s0], s1  }
0x7b: {  	s0 =	simm.s32 @!p0 $0x6  }
0x7c: {  	_ =	swait.ge @!p0 [sflag:s0], s1  }
0x7d: {  	s1 =	ssub.s32 @!p0 $0x0, s1;
	[sflag:s0] =	ssyncset.done @!p0 $0x0  }
0x7e: {  	[sflag:s0] =	ssyncadd.s32 @!p0 s1  }
0x7f: {  	[bflag:$0x3] =	sbarrier.arrive $0xFFFF  }
0x80: {  	_ =	shalt  }

// kernel: kernel.15.cloned.1.call-start
scs
__scs_entry_jumppad:
0x0: {  	(pc) =	sbr.rel $0x88, $3  }
0x1: {  	(tag) =	ssettag $0x0;
	lr =	simm.s32 $0x1  }
0x2: {  	[smem:$0x3F9B] =	sst lr;
	_ =	strace $0xD0000000  }
0x3: {  	_ = 	snop  }
0x4: {  	_ = 	snop  }
0x5: {  	_ = 	snop  }
0x6: {  	_ = 	snop  }
0x7: {  	_ = 	snop  }
__scs_overlays_trampoline_lowered:
0x8: {  	[smem:$0x3FAA] =	sst s0  }
0x9: {  	[smem:$0x3FAB] =	sst s1  }
0xa: {  	[smem:$0x3FAC] =	sst s2  }
0xb: {  	[smem:$0x3FAD] =	sst s3  }
0xc: {  	[smem:$0x3FAE] =	sst s4  }
0xd: {  	[smem:$0x3FAF] =	sst s5  }
0xe: {  	[smem:$0x3FB0] =	sst s6  }
0xf: {  	[smem:$0x3FB1] =	sst s7  }
0x10: {  	[smem:$0x3FB2] =	sst s8  }
0x11: {  	[smem:$0x3FB3] =	sst s9;
	s0 =	simm.s32 @!p0 $0x0  }
0x12: {  	s1 =	sld [smem:$0x3F99];
	s0 =	simm.s32 @p0 $0x1  }
0x13: {  	[smem:$0x3FB4] =	sst s0;
	s0 =	simm.s32 @!p1 $0x0  }
0x14: {  	s2 =	sld [smem:$0x3F98];
	s0 =	simm.s32 @p1 $0x1  }
0x15: {  	[smem:$0x3FB5] =	sst s0;
	s0 =	simm.s32 @!p2 $0x0  }
0x16: {  	s3 =	sld [smem:$0x3FDB];
	s0 =	simm.s32 @p2 $0x1  }
0x17: {  	s4 =	simm.s32 $0x1BF5;
	[smem:$0x3FB7] =	sst s0  }
0x18: {  	s0 =	sld [smem:$0x3F9A];
	_ =	swait.ge [sflag:s4], $0x0  }
0x19: {  	s7 =	sld [smem:$0x3F9B]  }
0x1a: {  	s8 =	sadd.s32 $0xFFFFE003, lr  }
0x1b: {  	s9 =	sadd.s32 $0xFFFFFEF7, lr;
	s5 =	simm.s32 $0xFFFFFFFF;
	p2 =	slt.u32 s8, $0xFFFFF086  }
0x1c: {  	p1 =	slt.u32 s9, $0xF7A;
	s5 =	simm.s32 @!p2 $0x0  }
0x1d: {  	s5 =	simm.s32 @p1 $0x1;
	p0 =	seq.s32 s7, s2  }
0x1e: {  	s7 =	smul.u32 @!p0 $0xF7A, s2;
	p2 =	seq.s32 @!p0 s5, $0x0  }
0x1f: {  	s9 =	smul.u32 $0xF7A, s1;
	s8 =	simm.s32 @!p0 $0x1BF5;
	p2 =	por !p2, p0  }
0x20: {  	[sflag:s8] =	ssyncset.s32 @!p0 $0xFFFFF086;
	s6 =	sadd.s32 @!p0 s3, s7;
	s7 =	simm.s32 @!p0 $0x108  }
0x21: {  	s3 =	sadd.s32 s3, s9;
	s6 =	sadd.s32 @!p0 $0x88, s6;
	s7 =	simm.s32 @p2 $0x1082  }
0x22: {  	[simem:s7], [sflag:s8] =	dma.local @!p0 [hbm:s6], $0xF7A  }
0x23: {  	s9 =	sor.u32 $0xD0000000, s2;
	s6 =	simm.s32 $0x108;
	_ =	swait.ge @!p0 [sflag:s8], $0x0  }
0x24: {  	s3 =	sadd.s32 $0x88, s3;
	s6 =	simm.s32 @!p1 $0x1082;
	[sflag:s4] =	ssyncset.s32 $0xFFFFF086  }
0x25: {  	[simem:s6], [sflag:s4] =	dma.local [hbm:s3], $0xF7A  }
0x26: {  	[smem:$0x3F9B] =	sst s1;
	(tag) =	ssettag s2;
	_ =	strace s9  }
0x27: {  	s1 =	sld [smem:$0x3FAB]  }
0x28: {  	s2 =	sld [smem:$0x3FAC]  }
0x29: {  	s4 =	sld [smem:$0x3FAE]  }
0x2a: {  	p0 =	seq.s32 s5, $0x0;
	s5 =	sld [smem:$0x3FAF]  }
0x2b: {  	s6 =	sld [smem:$0x3FB0]  }
0x2c: {  	s7 =	sld [smem:$0x3FB1]  }
0x2d: {  	s3 =	simm.s32 $0x108;
	s8 =	sld [smem:$0x3FB2]  }
0x2e: {  	s3 =	simm.s32 @!p0 $0x1082;
	s9 =	sld [smem:$0x3FB3]  }
0x2f: {  	lr =	sadd.s32 s0, s3;
	s0 =	sld [smem:$0x3FAA]  }
0x30: {  	s3 =	sld [smem:$0x3FAD]  }
0x31: {  	[smem:$0x3FB6] =	sst s10  }
0x32: {  	s10 =	sld [smem:$0x3FB4];
	_ =	sdelay $0x3  }
0x33: {  	p0 =	seq.s32 s10, $0x1;
	s10 =	sld [smem:$0x3FB6];
	_ =	sdelay $0x3  }
0x34: {  	[smem:$0x3FB6] =	sst s10  }
0x35: {  	s10 =	sld [smem:$0x3FB5];
	_ =	sdelay $0x3  }
0x36: {  	p1 =	seq.s32 s10, $0x1;
	s10 =	sld [smem:$0x3FB6];
	_ =	sdelay $0x3  }
0x37: {  	[smem:$0x3FB6] =	sst s10  }
0x38: {  	s10 =	sld [smem:$0x3FB7]  }
0x39: {  	_ = 	snop;
	(pc) =	sbr.ind lr, $3  }
0x3a: {  	_ = 	snop  }
0x3b: {  	_ = 	snop  }
0x3c: {  	p2 =	seq.s32 s10, $0x1;
	s10 =	sld [smem:$0x3FB6]  }
0x3d: {  	_ =	shalt  }
0x3e: {  	_ =	shalt  }
0x3f: {  	_ =	shalt  }
0x40: {  	_ =	shalt  }
0x41: {  	_ =	shalt  }
0x42: {  	_ =	shalt  }
0x43: {  	_ =	shalt  }
0x44: {  	_ =	shalt  }
0x45: {  	_ =	shalt  }
0x46: {  	_ =	shalt  }
0x47: {  	_ =	shalt  }
0x48: {  	_ =	shalt  }
0x49: {  	_ =	shalt  }
0x4a: {  	_ =	shalt  }
0x4b: {  	_ =	shalt  }
0x4c: {  	_ =	shalt  }
0x4d: {  	_ =	shalt  }
0x4e: {  	_ =	shalt  }
0x4f: {  	_ =	shalt  }
0x50: {  	_ =	shalt  }
0x51: {  	_ =	shalt  }
0x52: {  	_ =	shalt  }
0x53: {  	_ =	shalt  }
0x54: {  	_ =	shalt  }
0x55: {  	_ =	shalt  }
0x56: {  	_ =	shalt  }
0x57: {  	_ =	shalt  }
0x58: {  	_ =	shalt  }
0x59: {  	_ =	shalt  }
0x5a: {  	_ =	shalt  }
0x5b: {  	_ =	shalt  }
0x5c: {  	_ =	shalt  }
0x5d: {  	_ =	shalt  }
0x5e: {  	_ =	shalt  }
0x5f: {  	_ =	shalt  }
0x60: {  	_ =	shalt  }
0x61: {  	_ =	shalt  }
0x62: {  	_ =	shalt  }
0x63: {  	_ =	shalt  }
0x64: {  	_ =	shalt  }
0x65: {  	_ =	shalt  }
0x66: {  	_ =	shalt  }
0x67: {  	_ =	shalt  }
0x68: {  	_ =	shalt  }
0x69: {  	_ =	shalt  }
0x6a: {  	_ =	shalt  }
0x6b: {  	_ =	shalt  }
0x6c: {  	_ =	shalt  }
0x6d: {  	_ =	shalt  }
0x6e: {  	_ =	shalt  }
0x6f: {  	_ =	shalt  }
0x70: {  	_ =	shalt  }
0x71: {  	_ =	shalt  }
0x72: {  	_ =	shalt  }
0x73: {  	_ =	shalt  }
0x74: {  	_ =	shalt  }
0x75: {  	_ =	shalt  }
0x76: {  	_ =	shalt  }
0x77: {  	_ =	shalt  }
0x78: {  	_ =	shalt  }
0x79: {  	_ =	shalt  }
0x7a: {  	_ =	shalt  }
0x7b: {  	_ =	shalt  }
0x7c: {  	_ =	shalt  }
0x7d: {  	_ =	shalt  }
0x7e: {  	_ =	shalt  }
0x7f: {  	_ =	shalt  }
0x80: {  	_ =	shalt  }
0x81: {  	_ =	shalt  }
0x82: {  	_ =	shalt  }
0x83: {  	_ =	shalt  }
0x84: {  	_ =	shalt  }
0x85: {  	_ =	shalt  }
0x86: {  	_ =	shalt  }
0x87: {  	_ =	shalt  }
.Lfunc_end0:
.L_simem_size_0:
called_computation.2_lowered:
.L_overlay_start_0:
0x88: {  	s2 =	sld [smem:$0x3FD9]  }
0x89: {  	s3 =	sld [smem:$0x3FFE];
	_ =	sdelay $0x1  }
0x8a: {  	s1 =	srdreg.scid  }
0x8b: {  	s0 =	sand.u32 $0x1, s1  }
0x8c: {  	s17 =	sshll.u32 s0, $0xA;
	s2 =	sadd.s32 s3, s2  }
0x8d: {  	s2 =	sadd.s32 s2, s17  }
0x8e: {  	[smem:$0x3FC2] =	sst s2  }
0x8f: {  	_ = 	snop  }
0x90: {  	s2 =	sld [smem:$0x3FD0];
	(tm) =	ssettm $0x1  }
0x91: {  	s18 =	sld [smem:$0x3FFB];
	_ =	sdelay $0x3  }
0x92: {  	_ =	strace s18  }
0x93: {  	s3 =	sld [smem:$0x3FFC];
	_ =	sdelay $0x3  }
0x94: {  	_ =	strace s3  }
0x95: {  	s3 =	sld [smem:$0x3FFD];
	_ =	sdelay $0x3  }
0x96: {  	_ =	strace s3  }
0x97: {  	_ =	strace $0x8FFFFFFF  }
0x98: {  	s19 =	sld [smem:$0x3FDB];
	_ =	sdelay $0x1  }
0x99: {  	s4 =	simm.s32 $_scs_section_size  }
0x9a: {  	s5 =	simm.s32 $_size__tile_overlayer_lowered;
	s6 =	simm.s32 $_tile_overlayer_lowered  }
0x9b: {  	s22 =	simm.s32 $0x1BFF;
	s21 =	sshll.u32 s6, $0x1;
	s3 =	sadd.s32 s4, s19  }
0x9c: {  	s7 =	simm.s32 $0x0;
	s20 =	sshll.u32 s5, $0x1;
	s5 =	sadd.s32 s21, s3  }
0x9d: {  	[timem:s7], [sflag:s22] =	dma.local [hbm:s5], s20  }
0x9e: {  	_ =	swait.ge [sflag:s22], s20  }
0x9f: {  	s4 =	ssub.s32 $0x0, s20;
	[sflag:s22] =	ssyncset.done $0x0  }
0xa0: {  	[sflag:s22] =	ssyncadd.s32 s4;
	_ =	sdelay $0x1  }
0xa1: {  	s23 =	simm.s32 $0x1B8B  }
0xa2: {  	_ =	swait.ge [sflag:s23], $0x1  }
0xa3: {  	[sflag:s23] =	ssyncset.done $0x0  }
0xa4: {  	s25 =	simm.s32 $0x1B8E;
	s24 =	sld [smem:$0x3FFE];
	[sflag:s23] =	ssyncadd.s32 $0xFFFFFFFF  }
0xa5: {  	s26 =	simm.s32 $execute0_lowered;
	[smem:$0x3FD2] =	sst s25  }
0xa6: {  	s5 =	sshll.u32 s26, $0x1;
	_ =	strace $0x8000004C;
	[dreg:$0x1] =	wrdreg $0xFFFFFFFF  }
0xa7: {  	s28 =	simm.s32 $_size_execute0_lowered;
	s3 =	sadd.s32 s3, s5;
	[dreg:$0x0] =	wrdreg $0x0  }
0xa8: {  	s5 =	sshll.u32 s28, $0x1;
	[dreg:$0x2] =	wrdreg s3  }
0xa9: {  	[dreg:$0x3] =	wrdreg s5  }
0xaa: {  	[dreg:$0x4] =	wrdreg $0xC0  }
0xab: {  	_ =	task [dreg:s7], $0x5FFFF  }
0xac: {  	[dreg:$0x1] =	wrdreg $0xFFFFFFFF  }
0xad: {  	[dreg:$0x0] =	wrdreg $0x60  }
0xae: {  	[dreg:$0x2] =	wrdreg s24  }
0xaf: {  	[dreg:$0x3] =	wrdreg s2  }
0xb0: {  	[dreg:$0x4] =	wrdreg $0xA0000  }
0xb1: {  	[dreg:$0x5] =	wrdreg $0x9  }
0xb2: {  	_ =	task.clear_ibuf [dreg:s7], $0x6FFFF;
	_ =	strace $0x9000004C  }
0xb3: {  	s29 =	simm.s32 $0x9;
	_ =	strace $0x8000004E  }
0xb4: {  	_ =	swait.ge [sflag:s29], $0x1  }
0xb5: {  	[sflag:s29] =	ssyncadd.s32 $0xFFFFFFFF  }
0xb6: {  	_ =	strace $0x9000004E  }
0xb7: {  	_ =	sfence  }
0xb8: {  	s30 =	sld [smem:$0x0];
	_ =	sdelay $0x2  }
0xb9: {  	s31 =	sshll.u32 s1, $0xD;
	s1 =	sshrl.u32 s1, $0x2  }
0xba: {  	s3 =	sand.u32 $0x4000, s31;
	s1 =	sadd.s32 s1, s30  }
0xbb: {  	s0 =	sor.u32 s3, s0;
	s1 =	sshll.u32 s1, $0x11  }
0xbc: {  	s0 =	sor.u32 s1, s0  }
0xbd: {  	s0 =	sadd.s32 $0x8F2B, s0  }
0xbe: {  	[sflag:s0] =	ssyncadd.remote.s32 $0x1  }
0xbf: {  	_ =	sfence.sel $0xFFFF  }
0xc0: {  	[dreg:$0x0] =	wrdreg $0xFFFFFFFF;
	(pc) =	sbr.abs _section_cstart, $3  }
0xc1: {  	[dreg:$0x1] =	wrdreg $0xFFFFFFFF  }
0xc2: {  	_ =	task.clear_ibuf [dreg:s7], $0x2FFFF;
	_ =	strace $0x9FFFFFFF  }
0xc3: {  	(tm) =	ssettm $0x7FFFFFFF  }
tec
execute0_lowered:
.L_overlay_start_1:
0x0: {  	(tag) =	ssettag $0x1  }
0x1: {  	s0 =	rddreg [dreg:$0x0]  }
0x2: {  	s1 =	rddreg [dreg:$0x1]  }
0x3: {  	s3 =	rddreg [dreg:$0x2]  }
0x4: {  	s4 =	simm.s32 $0x0;
	s5 =	stileid.u32;
	s2 =	srdreg.scid  }
0x5: {  	s18 =	simm.s32 $0x1;
	s19 =	simm.s32 $0x1000;
	s20 =	simm.s32 $0x80  }
0x6: {  	s21 =	simm.s32 $0x2000;
	s23 =	simm.s32 $0x4;
	s24 =	simm.s32 $0x5  }
0x7: {  	[smem:$0x7FF] =	sst s4;
	s9 =	smul.u32 $0x2780, s5;
	s2 =	sand.u32 $0x1, s2  }
0x8: {  	s6 =	sadd.s32 $0x3D800, s0;
	s7 =	sadd.s32 $0xC600, s0;
	s11 =	smul.u32 $0x4F000, s5  }
0x9: {  	s15 =	sadd.s32 $0x128400, s3;
	s16 =	smul.u32 $0x50, s5;
	p0 =	seq.s32 s5, $0xF  }
0xa: {  	_ =	strace $0x8000004D;
	s8 =	smul.u32 $0x27100, s2;
	s10 =	sshll.u32 s2, $0x4  }
0xb: {  	s25 =	ssub.s32 $0x2, s2;
	s2 =	smul.u32 $0x500, s2;
	s15 =	sshrl.u32 @p0 s15, $0x3  }
0xc: {  	[dreg:$0x4] =	wrdreg s9;
	s9 =	sadd.s32 s9, s0;
	s10 =	sor.u32 s5, s10  }
0xd: {  	s13 =	sshrl.u32 s25, $0x1;
	s11 =	sshrl.u32 s11, $0x2;
	s12 =	sadd.s32 s8, s0  }
0xe: {  	s14 =	smul.u32 $0x500, s10;
	s13 =	ssub.s32 s25, s13;
	s17 =	sadd.s32 s11, s3  }
0xf: {  	s26 =	sadd.s32 $0x16600, s9;
	s0 =	sadd.s32 $0x3B680, s0;
	s30 =	sadd.s32 s16, s2  }
0x10: {  	s2 =	sshll.u32 @!p0 s5, $0x6;
	s25 =	simm.s32 $0x0;
	[dreg:$0x5] =	wrdreg s26  }
0x11: {  	[dreg:$0x6] =	wrdreg s0;
	s10 =	sadd.s32 $0x64A00, s12;
	s28 =	smax.u32 s13, $0x1  }
0x12: {  	s0 =	sshll.u32 s30, $0x4;
	[dreg:$0x7] =	wrdreg s28;
	s29 =	sadd.s32 s1, s14  }
0x13: {  	s16 =	sor.u32 @!p0 $0x1C06, s2;
	s31 =	sadd.s32 s7, s14;
	[dreg:$0x8] =	wrdreg s29  }
0x14: {  	s17 =	sshrl.u32 @!p0 s17, $0x3;
	s14 =	sor.u32 $0x20, s0;
	[dreg:$0x9] =	wrdreg s31  }
.LBB2_1:
0x15: {  	s0 =	simm.s32 @p0 $0x1FC6;
	s2 =	rddreg [dreg:$0x6]  }
0x16: {  	[spmem:s15], [sflag:s0] =	dma.local @p0 [hbm:s2], $0x2100  }
0x17: {  	s0 =	simm.s32 @p0 $0x6  }
0x18: {  	_ =	swait.ge @p0 [sflag:s0], $0x2100  }
0x19: {  	[sflag:s0] =	ssyncset.done @p0 $0x0  }
0x1a: {  	[sflag:s0] =	ssyncadd.s32 @p0 $0xFFFFDF00;
	s0 =	rddreg [dreg:$0x5]  }
0x1b: {  	[spmem:s17], [sflag:s16] =	dma.local @!p0 [hbm:s0], $0x2780  }
0x1c: {  	s0 =	simm.s32 @!p0 $0x6  }
0x1d: {  	_ =	swait.ge @!p0 [sflag:s0], $0x2780  }
0x1e: {  	[sflag:s0] =	ssyncset.done @!p0 $0x0  }
0x1f: {  	[sflag:s0] =	ssyncadd.s32 @!p0 $0xFFFFD880  }
0x20: {  	[bflag:$0x0] =	sbarrier.arrive $0xFFFF  }
0x21: {  	s5 =	rddreg [dreg:$0x8]  }
0x22: {  	[tilespmem:s4], [sflag:$0x1] =	stream.linear.gather [hbm4b:s5+s4], $0x800, $0x38;
	[tilespmem:$0x1D8C0] =	vst v63  }
0x23: {  	_ =	swait.ge [sflag:s18], $0x800  }
0x24: {  	[sflag:s18] =	ssyncset.done $0x0  }
0x25: {  	s8 =	rddreg [dreg:$0x9];
	[sflag:s18] =	ssyncadd.s32 $0xFFFFF800  }
0x26: {  	[tilespmem:s19], [sflag:$0x1] =	stream.linear.gather [hbm4b:s8+s4], $0x800, $0x38;
	[tilespmem:$0x1D8C0] =	vst v63  }
0x27: {  	_ =	swait.ge [sflag:s18], $0x800  }
0x28: {  	[sflag:s18] =	ssyncset.done $0x0  }
0x29: {  	s9 =	simm.s32 $0x6000;
	s0 =	simm.s32 $0x2;
	[sflag:s18] =	ssyncadd.s32 $0xFFFFF800  }
0x2a: {  	[tilespmem:s21], [sflag:$0x2] =	stream.indirect.gather [hbm4b:s6+s20], $0x80, s4, s20, $0xb8;
	[tilespmem:$0x1D8C0] =	vst v63  }
0x2b: {  	p1 =	por $0x0, $0x0;
	s22 =	simm.s32 $0x100;
	s2 =	sand.u32 $0xF, s0  }
0x2c: {  	[tilespmem:s9], [sflag:$0x3] =	stream.indirect.gather [hbm4b:s6+s20], $0x80, s20, s20, $0xb8;
	[tilespmem:$0x1D8C0] =	vst v63  }
0x2d: {  	s11 =	simm.s32 $0x200;
	p2 =	sne.s32 @!p1 s2, $0x0;
	_ =	swait.ge [sflag:s0], $0x4000  }
0x2e: {  	s31 =	simm.s32 @!p1 $0x80;
	p2 =	por p2, p1;
	[sflag:s0] =	ssyncset.done $0x0  }
0x2f: {  	s26 =	sand.u32 @!p2 $0x1FFFFF00, s14;
	s28 =	simm.s32 @!p2 $0x1;
	[sflag:s0] =	ssyncadd.s32 $0xFFFFC000  }
0x30: {  	[spmem:s3] =	stream.indirect.scatter.add.f32 [tilespmem:s21], [sflag:$0x4], $0x80, s19, s20, $0xb8;
	[tilespmem:$0x1D8C0] =	vst v63  }
0x31: {  	s22 =	sand.u32 @!p2 $0x800, s22;
	s30 =	simm.s32 @!p2 $0x0;
	s29 =	sadd.s32 @!p2 s1, s26  }
0x32: {  	[tilespmem:s22], [sflag:$0x1] =	stream.linear.gather @!p2 [hbm4b:s29+s30], $0x800, $0x38;
	[tilespmem:$0x1D8C0] =	vst v63  }
0x33: {  	s2 =	sshll.u32 @!p1 s2, $0x7;
	s5 =	simm.s32 $0x1;
	_ =	swait.ge @!p2 [sflag:s28], $0x800  }
0x34: {  	s12 =	sand.u32 $0x1, s5;
	s26 =	sadd.s32 @!p2 s7, s26;
	[sflag:s28] =	ssyncset.done @!p2 $0x0  }
0x35: {  	s5 =	sshll.u32 s12, $0xE;
	s22 =	sor.u32 @!p2 $0x1000, s22;
	[sflag:s28] =	ssyncadd.s32 @!p2 $0xFFFFF800  }
0x36: {  	[tilespmem:s22], [sflag:$0x1] =	stream.linear.gather @!p2 [hbm4b:s26+s30], $0x800, $0x38;
	[tilespmem:$0x1D8C0] =	vst v63  }
0x37: {  	s0 =	sand.u32 @!p1 $0x1, s0;
	s29 =	simm.s32 $0x400;
	_ =	swait.ge @!p2 [sflag:s28], $0x800  }
0x38: {  	s29 =	sand.u32 @!p1 $0x2000, s29;
	s22 =	sshll.u32 @!p1 s0, $0xE;
	[sflag:s28] =	ssyncset.done @!p2 $0x0  }
0x39: {  	s26 =	sshrl.u32 @!p1 s29, $0x2;
	s30 =	sor.u32 @!p1 $0x4, s0;
	[sflag:s28] =	ssyncadd.s32 @!p2 $0xFFFFF800  }
0x3a: {  	s0 =	sor.u32 @!p1 $0x2, s0;
	s29 =	sadd.s32 $0x10, s14;
	_ =	swait.ge @!p1 [sflag:s30], $0x4000  }
0x3b: {  	s22 =	sor.u32 @!p1 $0x2000, s22;
	s2 =	sor.u32 @!p1 s2, s26;
	[sflag:s30] =	ssyncset.done @!p1 $0x0  }
0x3c: {  	s26 =	simm.s32 $0x3;
	s28 =	simm.s32 $0x180;
	[sflag:s30] =	ssyncadd.s32 @!p1 $0xFFFFC000  }
0x3d: {  	[tilespmem:s22], [sflag:s0] =	stream.indirect.gather @!p1 [hbm4b:s6+s31], $0x80, s2, s31, $0xb8;
	[tilespmem:$0x1D8C0] =	vst v63  }
0x3e: {  	s30 =	simm.s32 $0x600;
	s31 =	sor.u32 $0x2, s12;
	s0 =	sand.u32 $0x3E00, s11  }
0x3f: {  	s2 =	sor.u32 $0x2000, s5;
	_ =	swait.ge [sflag:s31], $0x4000;
	s13 =	sshrl.u32 s0, $0x2  }
0x40: {  	s0 =	sor.u32 $0x4, s12;
	[sflag:s31] =	ssyncset.done $0x0;
	s22 =	sor.u32 $0x1000, s13  }
.LBB2_2:
0x41: {  	s5 =	sand.u32 $0xF, s26  }
0x42: {  	p1 =	seq.s32 s26, $0x50;
	[sflag:s31] =	ssyncadd.s32 $0xFFFFC000;
	s31 =	smov.u32 s26  }
0x43: {  	[spmem:s3] =	stream.indirect.scatter.add.f32 [tilespmem:s2], [sflag:s0], $0x80, s22, s20, $0xb8;
	[tilespmem:$0x1D8C0] =	vst v63  }
0x44: {  	p2 =	sne.s32 @!p1 s5, $0x0;
	s0 =	sand.u32 @!p1 $0x1, s26;
	s2 =	sand.u32 @!p1 $0x2000, s30  }
0x45: {  	p2 =	por p2, p1;
	s22 =	sshll.u32 @!p1 s0, $0xE;
	s2 =	sshrl.u32 @!p1 s2, $0x2  }
0x46: {  	s5 =	sshll.u32 @!p1 s5, $0x7;
	s8 =	sand.u32 @!p2 $0x1FFFFF00, s29;
	s9 =	simm.s32 @!p2 $0x1  }
0x47: {  	s11 =	sand.u32 @!p2 $0x800, s28;
	s13 =	simm.s32 @!p2 $0x0;
	s12 =	sadd.s32 @!p2 s1, s8  }
0x48: {  	[tilespmem:s11], [sflag:$0x1] =	stream.linear.gather @!p2 [hbm4b:s12+s13], $0x800, $0x38;
	[tilespmem:$0x1D8C0] =	vst v63  }
0x49: {  	s8 =	sadd.s32 @!p2 s7, s8;
	s11 =	sor.u32 @!p2 $0x1000, s11;
	_ =	swait.ge @!p2 [sflag:s9], $0x800  }
0x4a: {  	s2 =	sor.u32 @!p1 s5, s2;
	s12 =	sor.u32 @!p1 $0x2000, s22;
	[sflag:s9] =	ssyncset.done @!p2 $0x0  }
0x4b: {  	s26 =	sadd.s32 $0x1, s26;
	s5 =	sor.u32 @!p1 $0x2, s0;
	[sflag:s9] =	ssyncadd.s32 @!p2 $0xFFFFF800  }
0x4c: {  	[tilespmem:s11], [sflag:$0x1] =	stream.linear.gather @!p2 [hbm4b:s8+s13], $0x800, $0x38;
	[tilespmem:$0x1D8C0] =	vst v63  }
0x4d: {  	p3 =	sne.s32 s26, $0x51;
	_ =	swait.ge @!p2 [sflag:s9], $0x800  }
0x4e: {  	s28 =	sadd.s32 $0x80, s28;
	[sflag:s9] =	ssyncset.done @!p2 $0x0  }
0x4f: {  	s0 =	sor.u32 @!p1 $0x4, s0;
	s29 =	sadd.s32 $0x10, s29;
	[sflag:s9] =	ssyncadd.s32 @!p2 $0xFFFFF800  }
0x50: {  	s8 =	sadd.s32 $0xFFFFFE00, s30;
	s30 =	sadd.s32 $0x200, s30;
	_ =	swait.ge @!p1 [sflag:s0], $0x4000  }
0x51: {  	s11 =	sadd.s32 $0xFFFFFFFF, s31;
	s9 =	simm.s32 @!p1 $0x80;
	[sflag:s0] =	ssyncset.done @!p1 $0x0  }
.Ltmp0:
0x52: {  	[sflag:s0] =	ssyncadd.s32 @!p1 $0xFFFFC000;
	s0 =	sand.u32 $0x1, s11;
	(pc) =	sbr.rel @p3 .LBB2_2-.Ltmp0, $4  }
0x53: {  	[tilespmem:s12], [sflag:s5] =	stream.indirect.gather @!p1 [hbm4b:s6+s9], $0x80, s2, s9, $0xb8;
	[tilespmem:$0x1D8C0] =	vst v63  }
0x54: {  	s2 =	sshll.u32 s0, $0xE;
	s31 =	sor.u32 $0x2, s0;
	s5 =	sand.u32 $0x3E00, s8  }
0x55: {  	s0 =	sor.u32 $0x4, s0;
	s5 =	sshrl.u32 s5, $0x2;
	_ =	swait.ge [sflag:s31], $0x4000  }
0x56: {  	s2 =	sor.u32 $0x2000, s2;
	s22 =	sor.u32 $0x1000, s5;
	[sflag:s31] =	ssyncset.done $0x0  }
0x57: {  	[sflag:s31] =	ssyncadd.s32 $0xFFFFC000  }
0x58: {  	[spmem:s3] =	stream.indirect.scatter.add.f32 [tilespmem:s2], [sflag:s0], $0x80, s22, s20, $0xb8;
	[tilespmem:$0x1D8C0] =	vst v63  }
0x59: {  	_ =	swait.ge [sflag:s23], $0x4000  }
0x5a: {  	[sflag:s23] =	ssyncset.done $0x0  }
0x5b: {  	[sflag:s23] =	ssyncadd.s32 $0xFFFFC000  }
0x5c: {  	_ =	swait.ge [sflag:s24], $0x4000  }
0x5d: {  	[sflag:s24] =	ssyncset.done $0x0  }
0x5e: {  	[sflag:s24] =	ssyncadd.s32 $0xFFFFC000  }
0x5f: {  	s0 =	sadd.s32 @p0 $0x25080, s10;
	s2 =	simm.s32 @p0 $0x1FC6;
	[bflag:$0x0] =	sbarrier.arrive $0xFFFF  }
0x60: {  	[hbm:s0], [sflag:s2] =	dma.local @p0 [spmem:s15], $0x2080  }
0x61: {  	s0 =	simm.s32 @p0 $0x6  }
0x62: {  	_ =	swait.ge @p0 [sflag:s0], $0x2080  }
0x63: {  	[sflag:s0] =	ssyncset.done @p0 $0x0  }
0x64: {  	[sflag:s0] =	ssyncadd.s32 @p0 $0xFFFFDF80;
	s0 =	rddreg [dreg:$0x4]  }
0x65: {  	s0 =	sadd.s32 @!p0 s0, s10  }
0x66: {  	[hbm:s0], [sflag:s16] =	dma.local @!p0 [spmem:s17], $0x2780  }
0x67: {  	s0 =	simm.s32 @!p0 $0x6  }
0x68: {  	_ =	swait.ge @!p0 [sflag:s0], $0x2780  }
0x69: {  	s25 =	sadd.s32 $0x1, s25;
	s31 =	rddreg [dreg:$0x7]  }
0x6a: {  	p1 =	sne.s32 s25, s31  }
.Ltmp1:
0x6b: {  	_ = 	snop;
	(pc) =	sbr.rel @p1 .LBB2_1-.Ltmp1, $3  }
0x6c: {  	_ =	sdelay $0x1  }
0x6d: {  	[sflag:s0] =	ssyncset.done @!p0 $0x0  }
0x6e: {  	[sflag:s0] =	ssyncadd.s32 @!p0 $0xFFFFD880  }
0x6f: {  	_ =	sfence.sel $0x180000  }
0x70: {  	[bflag:$0x0] =	sbarrier.arrive $0xFFFF  }
0x71: {  	_ =	strace $0x9000004D  }
0x72: {  	s0 =	stileid.u32;
	[bflag:$0x2] =	sbarrier.arrive $0xFFFF  }
0x73: {  	p0 =	sne.s32 s0, $0x0;
	s0 =	rddreg [dreg:$0x3]  }
0x74: {  	s0 =	sadd.s32 @!p0 $0x100000, s0  }
0x75: {  	[sflag:s0] =	ssyncadd.tile.s32 @!p0 $0x1;
	_ =	shalt  }
.Lfunc_end2:
_tile_overlayer_lowered:
.L_overlay_start_2:
0x76: {  	(tag) =	ssettag $0x2  }
0x77: {  	s0 =	rddreg [dreg:$0x0];
	s2 =	stileid.u32  }
0x78: {  	s1 =	rddreg [dreg:$0x1];
	p0 =	sne.s32 s2, $0x0  }
0x79: {  	s3 =	rddreg [dreg:$0x2];
	[bflag:$0x3] =	sbarrier.arrive $0xFFFF;
	s2 =	simm.s32 @!p0 $0x1C06  }
0x7a: {  	[timem:s3], [sflag:s2] =	dma.local @!p0 [hbm:s0], s1  }
0x7b: {  	s0 =	simm.s32 @!p0 $0x6  }
0x7c: {  	_ =	swait.ge @!p0 [sflag:s0], s1  }
0x7d: {  	s1 =	ssub.s32 @!p0 $0x0, s1;
	[sflag:s0] =	ssyncset.done @!p0 $0x0  }
0x7e: {  	[sflag:s0] =	ssyncadd.s32 @!p0 s1  }
0x7f: {  	[bflag:$0x3] =	sbarrier.arrive $0xFFFF  }
0x80: {  	_ =	shalt  }

// kernel: kernel.9.cloned.1.call-start
scs
__scs_entry_jumppad:
0x0: {  	(pc) =	sbr.rel $0x88, $3  }
0x1: {  	(tag) =	ssettag $0x0;
	lr =	simm.s32 $0x1  }
0x2: {  	[smem:$0x3F9B] =	sst lr;
	_ =	strace $0xD0000000  }
0x3: {  	_ = 	snop  }
0x4: {  	_ = 	snop  }
0x5: {  	_ = 	snop  }
0x6: {  	_ = 	snop  }
0x7: {  	_ = 	snop  }
__scs_overlays_trampoline_lowered:
0x8: {  	[smem:$0x3FAA] =	sst s0  }
0x9: {  	[smem:$0x3FAB] =	sst s1  }
0xa: {  	[smem:$0x3FAC] =	sst s2  }
0xb: {  	[smem:$0x3FAD] =	sst s3  }
0xc: {  	[smem:$0x3FAE] =	sst s4  }
0xd: {  	[smem:$0x3FAF] =	sst s5  }
0xe: {  	[smem:$0x3FB0] =	sst s6  }
0xf: {  	[smem:$0x3FB1] =	sst s7  }
0x10: {  	[smem:$0x3FB2] =	sst s8  }
0x11: {  	[smem:$0x3FB3] =	sst s9;
	s0 =	simm.s32 @!p0 $0x0  }
0x12: {  	s1 =	sld [smem:$0x3F99];
	s0 =	simm.s32 @p0 $0x1  }
0x13: {  	[smem:$0x3FB4] =	sst s0;
	s0 =	simm.s32 @!p1 $0x0  }
0x14: {  	s2 =	sld [smem:$0x3F98];
	s0 =	simm.s32 @p1 $0x1  }
0x15: {  	[smem:$0x3FB5] =	sst s0;
	s0 =	simm.s32 @!p2 $0x0  }
0x16: {  	s3 =	sld [smem:$0x3FDB];
	s0 =	simm.s32 @p2 $0x1  }
0x17: {  	s4 =	simm.s32 $0x1BF5;
	[smem:$0x3FB7] =	sst s0  }
0x18: {  	s0 =	sld [smem:$0x3F9A];
	_ =	swait.ge [sflag:s4], $0x0  }
0x19: {  	s7 =	sld [smem:$0x3F9B]  }
0x1a: {  	s8 =	sadd.s32 $0xFFFFE003, lr  }
0x1b: {  	s9 =	sadd.s32 $0xFFFFFEF7, lr;
	s5 =	simm.s32 $0xFFFFFFFF;
	p2 =	slt.u32 s8, $0xFFFFF086  }
0x1c: {  	p1 =	slt.u32 s9, $0xF7A;
	s5 =	simm.s32 @!p2 $0x0  }
0x1d: {  	s5 =	simm.s32 @p1 $0x1;
	p0 =	seq.s32 s7, s2  }
0x1e: {  	s7 =	smul.u32 @!p0 $0xF7A, s2;
	p2 =	seq.s32 @!p0 s5, $0x0  }
0x1f: {  	s9 =	smul.u32 $0xF7A, s1;
	s8 =	simm.s32 @!p0 $0x1BF5;
	p2 =	por !p2, p0  }
0x20: {  	[sflag:s8] =	ssyncset.s32 @!p0 $0xFFFFF086;
	s6 =	sadd.s32 @!p0 s3, s7;
	s7 =	simm.s32 @!p0 $0x108  }
0x21: {  	s3 =	sadd.s32 s3, s9;
	s6 =	sadd.s32 @!p0 $0x88, s6;
	s7 =	simm.s32 @p2 $0x1082  }
0x22: {  	[simem:s7], [sflag:s8] =	dma.local @!p0 [hbm:s6], $0xF7A  }
0x23: {  	s9 =	sor.u32 $0xD0000000, s2;
	s6 =	simm.s32 $0x108;
	_ =	swait.ge @!p0 [sflag:s8], $0x0  }
0x24: {  	s3 =	sadd.s32 $0x88, s3;
	s6 =	simm.s32 @!p1 $0x1082;
	[sflag:s4] =	ssyncset.s32 $0xFFFFF086  }
0x25: {  	[simem:s6], [sflag:s4] =	dma.local [hbm:s3], $0xF7A  }
0x26: {  	[smem:$0x3F9B] =	sst s1;
	(tag) =	ssettag s2;
	_ =	strace s9  }
0x27: {  	s1 =	sld [smem:$0x3FAB]  }
0x28: {  	s2 =	sld [smem:$0x3FAC]  }
0x29: {  	s4 =	sld [smem:$0x3FAE]  }
0x2a: {  	p0 =	seq.s32 s5, $0x0;
	s5 =	sld [smem:$0x3FAF]  }
0x2b: {  	s6 =	sld [smem:$0x3FB0]  }
0x2c: {  	s7 =	sld [smem:$0x3FB1]  }
0x2d: {  	s3 =	simm.s32 $0x108;
	s8 =	sld [smem:$0x3FB2]  }
0x2e: {  	s3 =	simm.s32 @!p0 $0x1082;
	s9 =	sld [smem:$0x3FB3]  }
0x2f: {  	lr =	sadd.s32 s0, s3;
	s0 =	sld [smem:$0x3FAA]  }
0x30: {  	s3 =	sld [smem:$0x3FAD]  }
0x31: {  	[smem:$0x3FB6] =	sst s10  }
0x32: {  	s10 =	sld [smem:$0x3FB4];
	_ =	sdelay $0x3  }
0x33: {  	p0 =	seq.s32 s10, $0x1;
	s10 =	sld [smem:$0x3FB6];
	_ =	sdelay $0x3  }
0x34: {  	[smem:$0x3FB6] =	sst s10  }
0x35: {  	s10 =	sld [smem:$0x3FB5];
	_ =	sdelay $0x3  }
0x36: {  	p1 =	seq.s32 s10, $0x1;
	s10 =	sld [smem:$0x3FB6];
	_ =	sdelay $0x3  }
0x37: {  	[smem:$0x3FB6] =	sst s10  }
0x38: {  	s10 =	sld [smem:$0x3FB7]  }
0x39: {  	_ = 	snop;
	(pc) =	sbr.ind lr, $3  }
0x3a: {  	_ = 	snop  }
0x3b: {  	_ = 	snop  }
0x3c: {  	p2 =	seq.s32 s10, $0x1;
	s10 =	sld [smem:$0x3FB6]  }
0x3d: {  	_ =	shalt  }
0x3e: {  	_ =	shalt  }
0x3f: {  	_ =	shalt  }
0x40: {  	_ =	shalt  }
0x41: {  	_ =	shalt  }
0x42: {  	_ =	shalt  }
0x43: {  	_ =	shalt  }
0x44: {  	_ =	shalt  }
0x45: {  	_ =	shalt  }
0x46: {  	_ =	shalt  }
0x47: {  	_ =	shalt  }
0x48: {  	_ =	shalt  }
0x49: {  	_ =	shalt  }
0x4a: {  	_ =	shalt  }
0x4b: {  	_ =	shalt  }
0x4c: {  	_ =	shalt  }
0x4d: {  	_ =	shalt  }
0x4e: {  	_ =	shalt  }
0x4f: {  	_ =	shalt  }
0x50: {  	_ =	shalt  }
0x51: {  	_ =	shalt  }
0x52: {  	_ =	shalt  }
0x53: {  	_ =	shalt  }
0x54: {  	_ =	shalt  }
0x55: {  	_ =	shalt  }
0x56: {  	_ =	shalt  }
0x57: {  	_ =	shalt  }
0x58: {  	_ =	shalt  }
0x59: {  	_ =	shalt  }
0x5a: {  	_ =	shalt  }
0x5b: {  	_ =	shalt  }
0x5c: {  	_ =	shalt  }
0x5d: {  	_ =	shalt  }
0x5e: {  	_ =	shalt  }
0x5f: {  	_ =	shalt  }
0x60: {  	_ =	shalt  }
0x61: {  	_ =	shalt  }
0x62: {  	_ =	shalt  }
0x63: {  	_ =	shalt  }
0x64: {  	_ =	shalt  }
0x65: {  	_ =	shalt  }
0x66: {  	_ =	shalt  }
0x67: {  	_ =	shalt  }
0x68: {  	_ =	shalt  }
0x69: {  	_ =	shalt  }
0x6a: {  	_ =	shalt  }
0x6b: {  	_ =	shalt  }
0x6c: {  	_ =	shalt  }
0x6d: {  	_ =	shalt  }
0x6e: {  	_ =	shalt  }
0x6f: {  	_ =	shalt  }
0x70: {  	_ =	shalt  }
0x71: {  	_ =	shalt  }
0x72: {  	_ =	shalt  }
0x73: {  	_ =	shalt  }
0x74: {  	_ =	shalt  }
0x75: {  	_ =	shalt  }
0x76: {  	_ =	shalt  }
0x77: {  	_ =	shalt  }
0x78: {  	_ =	shalt  }
0x79: {  	_ =	shalt  }
0x7a: {  	_ =	shalt  }
0x7b: {  	_ =	shalt  }
0x7c: {  	_ =	shalt  }
0x7d: {  	_ =	shalt  }
0x7e: {  	_ =	shalt  }
0x7f: {  	_ =	shalt  }
0x80: {  	_ =	shalt  }
0x81: {  	_ =	shalt  }
0x82: {  	_ =	shalt  }
0x83: {  	_ =	shalt  }
0x84: {  	_ =	shalt  }
0x85: {  	_ =	shalt  }
0x86: {  	_ =	shalt  }
0x87: {  	_ =	shalt  }
.Lfunc_end0:
.L_simem_size_0:
called_computation_lowered:
.L_overlay_start_0:
0x88: {  	s2 =	sld [smem:$0x3FD9]  }
0x89: {  	s3 =	sld [smem:$0x3FFE];
	_ =	sdelay $0x1  }
0x8a: {  	s1 =	srdreg.scid  }
0x8b: {  	s0 =	sand.u32 $0x1, s1  }
0x8c: {  	s16 =	sshll.u32 s0, $0xA;
	s2 =	sadd.s32 s3, s2  }
0x8d: {  	s2 =	sadd.s32 s2, s16  }
0x8e: {  	[smem:$0x3FC2] =	sst s2  }
0x8f: {  	_ = 	snop  }
0x90: {  	(tm) =	ssettm $0x1  }
0x91: {  	s17 =	sld [smem:$0x3FFB];
	_ =	sdelay $0x3  }
0x92: {  	_ =	strace s17  }
0x93: {  	s2 =	sld [smem:$0x3FFC];
	_ =	sdelay $0x3  }
0x94: {  	_ =	strace s2  }
0x95: {  	s2 =	sld [smem:$0x3FFD];
	_ =	sdelay $0x3  }
0x96: {  	_ =	strace s2  }
0x97: {  	_ =	strace $0x8FFFFFFF  }
0x98: {  	s18 =	sld [smem:$0x3FDB];
	_ =	sdelay $0x1  }
0x99: {  	s19 =	simm.s32 $_scs_section_size  }
0x9a: {  	s4 =	simm.s32 $_size__tile_overlayer_lowered;
	s5 =	simm.s32 $_tile_overlayer_lowered  }
0x9b: {  	s22 =	simm.s32 $0x1BFF;
	s21 =	sshll.u32 s5, $0x1;
	s2 =	sadd.s32 s19, s18  }
0x9c: {  	s6 =	simm.s32 $0x0;
	s20 =	sshll.u32 s4, $0x1;
	s4 =	sadd.s32 s21, s2  }
0x9d: {  	[timem:s6], [sflag:s22] =	dma.local [hbm:s4], s20  }
0x9e: {  	_ =	swait.ge [sflag:s22], s20  }
0x9f: {  	s3 =	ssub.s32 $0x0, s20;
	[sflag:s22] =	ssyncset.done $0x0  }
0xa0: {  	[sflag:s22] =	ssyncadd.s32 s3;
	_ =	sdelay $0x1  }
0xa1: {  	s23 =	simm.s32 $0x1B8B  }
0xa2: {  	_ =	swait.ge [sflag:s23], $0x1  }
0xa3: {  	[sflag:s23] =	ssyncset.done $0x0  }
0xa4: {  	s25 =	simm.s32 $0x1B8E;
	s24 =	sld [smem:$0x3FFE];
	[sflag:s23] =	ssyncadd.s32 $0xFFFFFFFF  }
0xa5: {  	s26 =	simm.s32 $execute0_lowered;
	[smem:$0x3FD2] =	sst s25  }
0xa6: {  	s4 =	sshll.u32 s26, $0x1;
	_ =	strace $0x80000046;
	[dreg:$0x1] =	wrdreg $0xFFFFFFFF  }
0xa7: {  	s28 =	simm.s32 $_size_execute0_lowered;
	s2 =	sadd.s32 s2, s4;
	[dreg:$0x0] =	wrdreg $0x0  }
0xa8: {  	s4 =	sshll.u32 s28, $0x1;
	[dreg:$0x2] =	wrdreg s2  }
0xa9: {  	[dreg:$0x3] =	wrdreg s4  }
0xaa: {  	[dreg:$0x4] =	wrdreg $0xC0  }
0xab: {  	_ =	task [dreg:s6], $0x5FFFF  }
0xac: {  	[dreg:$0x1] =	wrdreg $0xFFFFFFFF  }
0xad: {  	[dreg:$0x0] =	wrdreg $0x60  }
0xae: {  	[dreg:$0x2] =	wrdreg s24  }
0xaf: {  	[dreg:$0x3] =	wrdreg $0x9  }
0xb0: {  	_ =	task.clear_ibuf [dreg:s6], $0x4FFFF;
	_ =	strace $0x90000046  }
0xb1: {  	s29 =	simm.s32 $0x9;
	_ =	strace $0x80000048  }
0xb2: {  	_ =	swait.ge [sflag:s29], $0x1  }
0xb3: {  	[sflag:s29] =	ssyncadd.s32 $0xFFFFFFFF  }
0xb4: {  	_ =	strace $0x90000048  }
0xb5: {  	_ =	sfence  }
0xb6: {  	s30 =	sld [smem:$0x0];
	_ =	sdelay $0x2  }
0xb7: {  	s31 =	sshll.u32 s1, $0xD;
	s1 =	sshrl.u32 s1, $0x2  }
0xb8: {  	s3 =	sand.u32 $0x4000, s31;
	s1 =	sadd.s32 s1, s30  }
0xb9: {  	s0 =	sor.u32 s3, s0;
	s1 =	sshll.u32 s1, $0x11  }
0xba: {  	s0 =	sor.u32 s1, s0  }
0xbb: {  	s0 =	sadd.s32 $0x8F2B, s0  }
0xbc: {  	[sflag:s0] =	ssyncadd.remote.s32 $0x1  }
0xbd: {  	_ =	sfence.sel $0xFFFF  }
0xbe: {  	[dreg:$0x0] =	wrdreg $0xFFFFFFFF;
	(pc) =	sbr.abs _section_cstart, $3  }
0xbf: {  	[dreg:$0x1] =	wrdreg $0xFFFFFFFF  }
0xc0: {  	_ =	task.clear_ibuf [dreg:s6], $0x2FFFF;
	_ =	strace $0x9FFFFFFF  }
0xc1: {  	(tm) =	ssettm $0x7FFFFFFF  }
tec
execute0_lowered:
.L_overlay_start_1:
0x0: {  	(tag) =	ssettag $0x1  }
0x1: {  	s4 =	rddreg [dreg:$0x0];
	s1 =	srdreg.scid  }
0x2: {  	s0 =	rddreg [dreg:$0x1];
	s2 =	simm.s32 $0x0;
	s10 =	simm.s32 $0x2800  }
0x3: {  	s11 =	simm.s32 $0x5000;
	s12 =	simm.s32 $0x2;
	s3 =	sand.u32 $0x1, s1  }
0x4: {  	s13 =	simm.s32 $0x7800;
	s1 =	stileid.u32;
	s6 =	smul.u32 $0x28000, s3  }
0x5: {  	[smem:$0x7FF] =	sst s2;
	s5 =	sshll.u32 s3, $0x4;
	s7 =	smul.u32 $0x2800, s1  }
0x6: {  	s14 =	simm.s32 $0x0;
	_ =	strace $0x80000047;
	s5 =	sor.u32 s1, s5  }
0x7: {  	s30 =	ssub.s32 $0x2, s3;
	s5 =	smul.u32 $0x500, s5;
	s6 =	sadd.s32 s7, s6  }
0x8: {  	s3 =	sadd.s32 $0x16600, s4;
	s31 =	sshrl.u32 s30, $0x1;
	s6 =	sshrl.u32 s6, $0x3  }
0x9: {  	s9 =	ssub.s32 s30, s31;
	s5 =	sadd.s32 s5, s4;
	s8 =	sadd.s32 s6, s4  }
0xa: {  	s4 =	sadd.s32 $0x2600, s5;
	s5 =	sadd.s32 $0xC600, s5;
	s6 =	sadd.s32 $0x3D800, s8  }
0xb: {  	v0 =	vimm.f32 $1.000000000e+00;
	s7 =	sadd.s32 $0x47800, s8;
	s8 =	smax.u32 s9, $0x1;
	s9 =	simm.s32 $0x1  }
.LBB2_1:
0xc: {  	[tilespmem:s2], [sflag:$0x1] =	stream.linear.gather [hbm4b:s4+s2], $0x2800, $0x38;
	[tilespmem:$0xA000] =	vst v63  }
0xd: {  	_ =	swait.ge [sflag:s9], $0x2800  }
0xe: {  	[sflag:s9] =	ssyncset.done $0x0  }
0xf: {  	[sflag:s9] =	ssyncadd.s32 $0xFFFFD800  }
0x10: {  	[tilespmem:s10], [sflag:$0x1] =	stream.linear.gather [hbm4b:s5+s2], $0x2800, $0x38;
	[tilespmem:$0xA000] =	vst v63  }
0x11: {  	_ =	swait.ge [sflag:s9], $0x2800  }
0x12: {  	[sflag:s9] =	ssyncset.done $0x0  }
0x13: {  	[sflag:s9] =	ssyncadd.s32 $0xFFFFD800  }
0x14: {  	[tilespmem:s11], [sflag:$0x2] =	stream.linear.gather [hbm4b:s3+s2], $0x2800, $0x38;
	[tilespmem:$0xA000] =	vst v63  }
0x15: {  	_ =	swait.ge [sflag:s12], $0x2800  }
0x16: {  	[sflag:s12] =	ssyncset.done $0x0  }
0x17: {  	[sflag:s12] =	ssyncadd.s32 $0xFFFFD800  }
0x18: {  	[tilespmem:s13], [sflag:$0x2] =	stream.linear.gather [hbm4b:s3+s2], $0x2800, $0x38;
	[tilespmem:$0xA000] =	vst v63  }
0x19: {  	_ =	swait.ge [sflag:s12], $0x2800  }
0x1a: {  	[sflag:s12] =	ssyncset.done $0x0  }
0x1b: {  	s16 =	simm.s32 $0x0;
	s15 =	simm.s32 $0x40;
	[sflag:s12] =	ssyncadd.s32 $0xFFFFD800  }
.LBB2_2:
0x1c: {  	p0 =	sne.s32 s15, $0x9FC0;
	v1 =	vld [tilespmem:s16+$0x0];
	_ =	sdelay $0x7  }
0x1d: {  	[tilespmem:v1+s11+$0x0] =	vst.idx.add.f32.msk $0xffff, v0  }
0x1e: {  	v1 =	vld [tilespmem:s16+$0x2800];
	_ =	sdelay $0x3  }
.Ltmp0:
0x1f: {  	(pc) =	sbr.rel @p0 .LBB2_2-.Ltmp0, $2  }
0x20: {  	_ =	sdelay $0x2  }
0x21: {  	s16 =	sshra.s32 s15, $0x2;
	s15 =	sadd.s32 $0x40, s15;
	[tilespmem:v1+s13+$0x0] =	vst.idx.add.f32.msk $0xffff, v0  }
0x22: {  	v1 =	vld [tilespmem:s16+$0x0];
	_ =	sdelay $0x7  }
0x23: {  	[tilespmem:v1+s11+$0x0] =	vst.idx.add.f32.msk $0xffff, v0  }
0x24: {  	v1 =	vld [tilespmem:s16+$0x2800];
	_ =	sdelay $0x7  }
0x25: {  	[tilespmem:v1+s13+$0x0] =	vst.idx.add.f32.msk $0xffff, v0  }
0x26: {  	[hbm4b:s6+s2] =	stream.linear.scatter [tilespmem:s11], [sflag:$0x2], $0x2800, $0x38;
	[tilespmem:$0xA000] =	vst v63  }
0x27: {  	s14 =	sadd.s32 $0x1, s14;
	_ =	swait.ge [sflag:s12], $0x2800  }
0x28: {  	p0 =	sne.s32 s14, s8;
	[sflag:s12] =	ssyncset.done $0x0  }
.Ltmp1:
0x29: {  	[sflag:s12] =	ssyncadd.s32 $0xFFFFD800;
	(pc) =	sbr.rel @p0 .LBB2_1-.Ltmp1, $4  }
0x2a: {  	[hbm4b:s7+s2] =	stream.linear.scatter [tilespmem:s13], [sflag:$0x2], $0x2800, $0x38;
	[tilespmem:$0xA000] =	vst v63  }
0x2b: {  	_ =	swait.ge [sflag:s12], $0x2800  }
0x2c: {  	[sflag:s12] =	ssyncset.done $0x0  }
0x2d: {  	[sflag:s12] =	ssyncadd.s32 $0xFFFFD800  }
0x2e: {  	_ =	sfence.sel $0x180000  }
0x2f: {  	[bflag:$0x0] =	sbarrier.arrive $0xFFFF  }
0x30: {  	p0 =	sne.s32 s1, $0x0;
	_ =	strace $0x90000047  }
0x31: {  	s0 =	sadd.s32 @!p0 $0x100000, s0;
	[bflag:$0x2] =	sbarrier.arrive $0xFFFF  }
0x32: {  	[sflag:s0] =	ssyncadd.tile.s32 @!p0 $0x1;
	_ =	shalt  }
.Lfunc_end2:
_tile_overlayer_lowered:
.L_overlay_start_2:
0x33: {  	(tag) =	ssettag $0x2  }
0x34: {  	s0 =	rddreg [dreg:$0x0];
	s2 =	stileid.u32  }
0x35: {  	s1 =	rddreg [dreg:$0x1];
	p0 =	sne.s32 s2, $0x0  }
0x36: {  	s3 =	rddreg [dreg:$0x2];
	[bflag:$0x3] =	sbarrier.arrive $0xFFFF;
	s2 =	simm.s32 @!p0 $0x1C02  }
0x37: {  	[timem:s3], [sflag:s2] =	dma.local @!p0 [hbm:s0], s1  }
0x38: {  	s0 =	simm.s32 @!p0 $0x2  }
0x39: {  	_ =	swait.ge @!p0 [sflag:s0], s1  }
0x3a: {  	s1 =	ssub.s32 @!p0 $0x0, s1;
	[sflag:s0] =	ssyncset.done @!p0 $0x0  }
0x3b: {  	[sflag:s0] =	ssyncadd.s32 @!p0 s1  }
0x3c: {  	[bflag:$0x3] =	sbarrier.arrive $0xFFFF  }
0x3d: {  	_ =	shalt  }

</sc_bundles>
